<compile_context>
chip_gen: v7x
topology: tpu7x:2x2x1
jax: 0.10.2.dev20260603
libtpu: 0.0.44.dev20260713+nightly
codegen_flags: <defaults>
</compile_context>

<pallas_src>
import functools

import jax
import jax.numpy as jnp
from jax import lax
from jax.experimental import pallas as pl
from jax.experimental.pallas import tpu as pltpu
from jax.experimental.pallas import tpu_sc as plsc

_NC = 2
_NS = 16
_NW = _NC * _NS


def _proj_body(x_ref, wq_ref, bq_ref, wk_ref, bk_ref, wv_ref, bv_ref,
               q_ref, kvp_ref):
    x = x_ref[...]
    tb = x.shape[0]
    q_ref[...] = jnp.dot(x, wq_ref[...]) + bq_ref[...]
    k = jnp.dot(x, wk_ref[...]) + bk_ref[...]
    v = jnp.dot(x, wv_ref[...]) + bv_ref[...]
    ku = lax.bitcast_convert_type(k.astype(jnp.bfloat16),
                                  jnp.uint16).astype(jnp.uint32)
    vu = lax.bitcast_convert_type(v.astype(jnp.bfloat16),
                                  jnp.uint16).astype(jnp.uint32)
    w = lax.bitcast_convert_type((ku << 16) | vu, jnp.float32)
    kvp_ref[...] = jnp.concatenate(
        [w, jnp.zeros((tb, 64), jnp.float32)], axis=1)


def _attn_body(q_ref, kvg_ref, peg_ref, mask_ref, lg_ref, s_ref, srep_ref,
               wpe_ref, bpe_ref, blankk_ref, blankv_ref, wproj_ref, bproj_ref,
               out_ref, *, tb, m):
    c = q_ref.shape[-1]
    q = q_ref[...]
    s_sel = s_ref[...]
    wu = lax.bitcast_convert_type(kvg_ref[...][:, :c], jnp.uint32)
    kg = lax.bitcast_convert_type(wu & jnp.uint32(0xFFFF0000), jnp.float32)
    vg = lax.bitcast_convert_type(wu << 16, jnp.float32)
    qe = jnp.broadcast_to(q[:, None, :], (tb, m, c)).reshape(tb * m, c)
    scores = jnp.dot(qe * kg, s_sel)
    pe = jnp.dot(peg_ref[...], wpe_ref[...]) + bpe_ref[...]
    lg = lg_ref[0, 0]
    s3 = scores.reshape(tb, m, 8) + pe.reshape(tb, m, 8)
    s3 = s3 + ((1.0 - mask_ref[...]) * (-100.0) * lg)[:, :, None]
    bl = jnp.clip(jnp.dot(q * blankk_ref[...], s_sel), -5.0, 5.0)
    mx = jnp.maximum(jnp.max(s3, axis=1), bl)
    e3 = jnp.exp(s3 - mx[:, None, :])
    eb = jnp.exp(bl - mx)
    den = jnp.sum(e3, axis=1) + eb
    attn = (e3 / den[:, None, :]).reshape(tb * m, 8)
    ar = jnp.dot(attn, srep_ref[...])
    out = jnp.sum((ar * vg).reshape(tb, m, c), axis=1)
    out = out + jnp.dot(eb / den, srep_ref[...]) * blankv_ref[...]
    out_ref[...] = jnp.dot(out, wproj_ref[...]) + bproj_ref[...]


def _make_sc_gather(rows, width, chk, per_w, nbuf, tc_tiling):
    n_chunks = per_w // chk
    t_steps = n_chunks // nbuf
    mesh = plsc.VectorSubcoreMesh(core_axis_name="c", subcore_axis_name="s")

    @functools.partial(
        pl.kernel,
        mesh=mesh,
        out_type=jax.ShapeDtypeStruct((rows, width), jnp.float32),
        scratch_types=(
            [pltpu.VMEM((per_w,), jnp.int32),
             pltpu.VMEM((nbuf * chk, width), jnp.float32)]
            + [pltpu.SemaphoreType.DMA] * (2 * nbuf)
        ),
        compiler_params=pltpu.CompilerParams(use_tc_tiling_on_sc=tc_tiling),
    )
    def sc_gather(idx_hbm, table_hbm, out_hbm, idx_all, bufs, *sems):
        semg = sems[:nbuf]
        semw = sems[nbuf:]
        wid = lax.axis_index("s") * _NC + lax.axis_index("c")
        w0 = wid * per_w
        pltpu.sync_copy(idx_hbm.at[pl.ds(w0, per_w)], idx_all)

        def gat(i, b):
            return pltpu.make_async_copy(
                table_hbm.at[idx_all.at[pl.ds(i * chk, chk)]],
                bufs.at[pl.ds(b * chk, chk)], semg[b])

        def sto(i, b):
            return pltpu.make_async_copy(
                bufs.at[pl.ds(b * chk, chk)],
                out_hbm.at[pl.ds(w0 + i * chk, chk)], semw[b])

        for b in range(nbuf):
            gat(b, b).start()

        def body(t, carry):
            for b in range(nbuf):
                i = t * nbuf + b
                gat(i, b).wait()
                sto(i, b).start()

                @pl.when(t < t_steps - 1)
                def _():
                    sto(i, b).wait()
                    gat(i + nbuf, b).start()

            return carry

        lax.fori_loop(0, t_steps, body, 0)
        for b in range(nbuf):
            sto((t_steps - 1) * nbuf + b, b).wait()

    return sc_gather


def kernel(feat, member_idx, cluster_mask, pe_idx, global_attn, pre_table,
           W_q, b_q, W_kv, b_kv, blank_k, blank_v, W_pe, b_pe, W_proj, b_proj):
    B, N, C = feat.shape
    M = member_idx.shape[-1]
    H = W_pe.shape[1]
    CH = C // H
    T = pre_table.shape[0]
    BN = B * N
    R = BN * M
    CP = 256
    scale = jnp.float32(CH) ** -0.5

    f32 = jnp.float32
    x = feat.reshape(BN, C)

    hcol = jnp.arange(C)
    kcols = (hcol // CH) * (2 * CH) + (hcol % CH)
    vcols = kcols + CH
    Wk = W_kv[:, kcols]
    Wv = W_kv[:, vcols]
    bk = b_kv[kcols].reshape(1, C)
    bv = b_kv[vcols].reshape(1, C)

    TB1 = 256
    g1 = BN // TB1
    q2, kvp = pl.pallas_call(
        _proj_body,
        grid=(g1,),
        in_specs=[
            pl.BlockSpec((TB1, C), lambda i: (i, 0)),
            pl.BlockSpec((C, C), lambda i: (0, 0)),
            pl.BlockSpec((1, C), lambda i: (0, 0)),
            pl.BlockSpec((C, C), lambda i: (0, 0)),
            pl.BlockSpec((1, C), lambda i: (0, 0)),
            pl.BlockSpec((C, C), lambda i: (0, 0)),
            pl.BlockSpec((1, C), lambda i: (0, 0)),
        ],
        out_specs=[
            pl.BlockSpec((TB1, C), lambda i: (i, 0)),
            pl.BlockSpec((TB1, CP), lambda i: (i, 0)),
        ],
        out_shape=[jax.ShapeDtypeStruct((BN, C), f32),
                   jax.ShapeDtypeStruct((BN, CP), f32)],
    )(x, W_q * scale, (b_q * scale).reshape(1, C), Wk, bk, Wv, bv)

    gidx = (member_idx.astype(jnp.int32)
            + (jnp.arange(B, dtype=jnp.int32) * N)[:, None, None]).reshape(R)
    pidx = pe_idx.astype(jnp.int32).reshape(R)
    PW = 8
    pre8 = jnp.zeros((T, PW), f32).at[:, :5].set(pre_table)

    per_w = R // _NW
    kvg = _make_sc_gather(R, CP, 128, per_w, 3, True)(gidx, kvp)
    peg = _make_sc_gather(R, PW, 128, per_w, 3, False)(pidx, pre8)

    S = ((hcol[:, None] // CH) == jnp.arange(8)[None, :]).astype(f32)
    Srep = S.T
    Wpe8 = jnp.zeros((PW, 8), f32).at[:5, :H].set(W_pe)
    bpe8 = jnp.zeros((1, 8), f32).at[0, :H].set(b_pe)
    lg = jnp.logical_not(global_attn).astype(f32).reshape(1, 1)
    mask2 = cluster_mask.reshape(BN, M)

    TB2 = 128
    g2 = BN // TB2
    out = pl.pallas_call(
        functools.partial(_attn_body, tb=TB2, m=M),
        grid=(g2,),
        in_specs=[
            pl.BlockSpec((TB2, C), lambda i: (i, 0)),
            pl.BlockSpec((TB2 * M, CP), lambda i: (i, 0)),
            pl.BlockSpec((TB2 * M, PW), lambda i: (i, 0)),
            pl.BlockSpec((TB2, M), lambda i: (i, 0)),
            pl.BlockSpec((1, 1), lambda i: (0, 0), memory_space=pltpu.SMEM),
            pl.BlockSpec((C, 8), lambda i: (0, 0)),
            pl.BlockSpec((8, C), lambda i: (0, 0)),
            pl.BlockSpec((PW, 8), lambda i: (0, 0)),
            pl.BlockSpec((1, 8), lambda i: (0, 0)),
            pl.BlockSpec((1, C), lambda i: (0, 0)),
            pl.BlockSpec((1, C), lambda i: (0, 0)),
            pl.BlockSpec((C, C), lambda i: (0, 0)),
            pl.BlockSpec((1, C), lambda i: (0, 0)),
        ],
        out_specs=pl.BlockSpec((TB2, C), lambda i: (i, 0)),
        out_shape=jax.ShapeDtypeStruct((BN, C), f32),
    )(q2, kvg, peg, mask2, lg, S, Srep, Wpe8, bpe8,
      blank_k.reshape(1, C), blank_v.reshape(1, C), W_proj,
      b_proj.reshape(1, C))

    return out.reshape(B, N, C)

# --- scband reference (transcript-rebuilt; emitter-appended) ---
"""Pipeline reference for scband-cluster-attention-40999757807819 (READ-ONLY COPY).

The authoritative reference and input builder live on the scoring server;
editing this copy changes nothing except your own understanding.
"""

import jax, jax.numpy as jnp
import numpy as np

B, N, C, H, M, T = 4, 3136, 192, 6, 48, 3025
CH = C // H
SCALE = CH ** -0.5


def setup_inputs(seed: int = 0):
    key = jax.random.key(seed)
    ks = jax.random.split(key, 16)
    feat = jax.random.normal(ks[0], (B, N, C), dtype=jnp.float32)
    member_idx = jax.random.randint(ks[1], (B, N, M), 0, N)
    cluster_mask = jnp.ones((B, N, M), dtype=jnp.float32)
    pe_idx = jax.random.randint(ks[2], (B, N, M), 0, T)
    pre_table = jax.random.normal(ks[3], (T, 5), dtype=jnp.float32)
    W_q = jax.random.normal(ks[4], (C, C), dtype=jnp.float32) * 0.02
    b_q = jnp.zeros((C,), dtype=jnp.float32)
    W_kv = jax.random.normal(ks[5], (C, 2 * C), dtype=jnp.float32) * 0.02
    b_kv = jnp.zeros((2 * C,), dtype=jnp.float32)
    blank_k = jax.random.normal(ks[6], (C,), dtype=jnp.float32)
    blank_v = jax.random.normal(ks[7], (C,), dtype=jnp.float32)
    W_pe = jax.random.normal(ks[8], (5, H), dtype=jnp.float32) * 0.02
    b_pe = jnp.zeros((H,), dtype=jnp.float32)
    W_proj = jax.random.normal(ks[9], (C, C), dtype=jnp.float32) * 0.02
    b_proj = jnp.zeros((C,), dtype=jnp.float32)
    return {"feat": feat, "member_idx": member_idx, "cluster_mask": cluster_mask, "pe_idx": pe_idx, "global_attn": False, "pre_table": pre_table, "W_q": W_q, "b_q": b_q, "W_kv": W_kv, "b_kv": b_kv, "blank_k": blank_k, "blank_v": blank_v, "W_pe": W_pe, "b_pe": b_pe, "W_proj": W_proj, "b_proj": b_proj}


def reference(feat, member_idx, cluster_mask, pe_idx, global_attn, pre_table, W_q, b_q, W_kv, b_kv, blank_k, blank_v, W_pe, b_pe, W_proj, b_proj):
    b, n, c = feat.shape
    h = H
    c_ = c // h
    q = feat @ W_q + b_q
    q = q * SCALE
    kv = feat @ W_kv + b_kv
    q = q.reshape(b, n, h, c_).transpose(0, 2, 1, 3)
    kv = kv.reshape(b, n, h, 2, c_).transpose(3, 0, 2, 1, 4)
    k_, v = kv[0], kv[1]
    local_gate = jnp.logical_not(global_attn).astype(feat.dtype)
    m = member_idx.shape[-1]
    bidx = jnp.arange(b)[:, None, None]
    k_bn = k_.transpose(0, 2, 1, 3)
    v_bn = v.transpose(0, 2, 1, 3)
    kg = k_bn[bidx, member_idx]
    vg = v_bn[bidx, member_idx]
    attn = jnp.einsum('bhnc,bnmhc->bhnm', q, kg)
    mask = cluster_mask.reshape(b, 1, n, m)
    pe_table = pre_table @ W_pe + b_pe
    pos_embed = pe_table[pe_idx].transpose(0, 3, 1, 2)
    attn = attn + pos_embed
    attn = attn + (1.0 - mask) * (-100.0) * local_gate
    blank_attn = jnp.sum(q * blank_k.reshape(1, h, 1, c_), axis=-1, keepdims=True)
    blank_attn = jnp.clip(blank_attn, -5.0, 5.0)
    attn = jnp.concatenate([attn, blank_attn], axis=-1)
    attn = jax.nn.softmax(attn, axis=-1)
    blank_attn = attn[..., -1:]
    attn = attn[..., :-1]
    blank_out = blank_attn * blank_v.reshape(1, h, 1, c_)
    out = jnp.einsum('bhnm,bnmhc->bhnc', attn, vg)
    out = out.transpose(0, 2, 1, 3).reshape(b, n, c)
    out = out + blank_out.transpose(0, 2, 1, 3).reshape(b, n, c)
    out = out @ W_proj + b_proj
    return out

if __name__ == "__main__":
    import jax
    _d = setup_inputs()
    print(jax.jit(kernel)(*tuple(_d.values())))

</pallas_src>

<mosaic_0001>
#map = affine_map<(d0, d1) -> (0)>
#map1 = affine_map<(d0, d1) -> (0, 0)>
module attributes {stable_mosaic.version = 14 : i64} {
  func.func @sc_gather(%arg0: i32, %arg1: i32, %arg2: memref<602112xi32, #tpu.memory_space<hbm>>, %arg3: memref<3025x8xf32, #tpu.memory_space<hbm>>, %arg4: memref<602112x8xf32, #tpu.memory_space<hbm>>, %arg5: memref<18816xi32, #tpu.memory_space<vmem>>, %arg6: memref<384x8xf32, #tpu.memory_space<vmem>>, %arg7: memref<!tpu.dma_semaphore, #tpu.memory_space<semaphore_mem>>, %arg8: memref<!tpu.dma_semaphore, #tpu.memory_space<semaphore_mem>>, %arg9: memref<!tpu.dma_semaphore, #tpu.memory_space<semaphore_mem>>, %arg10: memref<!tpu.dma_semaphore, #tpu.memory_space<semaphore_mem>>, %arg11: memref<!tpu.dma_semaphore, #tpu.memory_space<semaphore_mem>>, %arg12: memref<!tpu.dma_semaphore, #tpu.memory_space<semaphore_mem>>) attributes {dimension_semantics = [#tpu.dimension_semantics<core_parallel>, #tpu.dimension_semantics<subcore_parallel>], iteration_bounds = array<i64: 2, 16>, scalar_prefetch = 0 : i64, scratch_operands = 8 : i64, tpu.core_type = #tpu.core_type<sc_vector_subcore>, window_params = [{transform_indices = #map}, {transform_indices = #map1}, {transform_indices = #map1}]} {
    %mul3A = arith.constant 2 : i32
    %mul3A_0 = arith.muli %arg1, %mul3A : i32
    %add3A = arith.addi %mul3A_0, %arg0 : i32
    %mul3A_1 = arith.constant 18816 : i32
    %mul3A_2 = arith.muli %add3A, %mul3A_1 : i32
    "tpu.region"() ({
      %run_scoped3A = tpu.sem_alloc : memref<!tpu.dma_semaphore, #tpu.memory_space<semaphore_mem>>
      %dma_start3A_66 = tpu.memref_slice %arg2[%mul3A_2] : memref<602112xi32, #tpu.memory_space<hbm>> -> memref<18816xi32, #tpu.memory_space<hbm>>
      %dma_start3A_67 = tpu.memref_slice %arg2[%mul3A_2] : memref<602112xi32, #tpu.memory_space<hbm>> -> memref<18816xi32, #tpu.memory_space<hbm>>
      tpu.enqueue_dma source(%dma_start3A_67 : memref<18816xi32, #tpu.memory_space<hbm>>) target(%arg5 : memref<18816xi32, #tpu.memory_space<vmem>>) target_semaphore(%run_scoped3A : memref<!tpu.dma_semaphore, #tpu.memory_space<semaphore_mem>>)
      %dma_wait3A_68 = tpu.memref_slice %arg2[%mul3A_2] : memref<602112xi32, #tpu.memory_space<hbm>> -> memref<18816xi32, #tpu.memory_space<hbm>>
      %dma_wait3A_69 = tpu.memref_slice %arg2[%mul3A_2] : memref<602112xi32, #tpu.memory_space<hbm>> -> memref<18816xi32, #tpu.memory_space<hbm>>
      tpu.wait_dma2 semaphore(%run_scoped3A : memref<!tpu.dma_semaphore, #tpu.memory_space<semaphore_mem>>) src(%dma_wait3A_69 : memref<18816xi32, #tpu.memory_space<hbm>>) dst(%arg5 : memref<18816xi32, #tpu.memory_space<vmem>>)
      tpu.yield
    }) : () -> ()
    %dma_start3A = arith.constant 0 : i32
    %dma_start3A_3 = arith.constant 0 : i32
    %dma_start3A_4 = tpu.memref_slice %arg6[%dma_start3A, %dma_start3A_3] : memref<384x8xf32, #tpu.memory_space<vmem>> -> memref<128x8xf32, #tpu.memory_space<vmem>>
    %dma_start3A_5 = arith.constant 0 : i32
    %dma_start3A_6 = tpu.memref_slice %arg5[%dma_start3A_5] : memref<18816xi32, #tpu.memory_space<vmem>> -> memref<128xi32, #tpu.memory_space<vmem>>
    %dma_start3A_7 = arith.constant 0 : i32
    %dma_start3A_8 = arith.constant 0 : i32
    %dma_start3A_9 = tpu.memref_slice %arg3[%dma_start3A_7, %dma_start3A_8] : memref<3025x8xf32, #tpu.memory_space<hbm>> -> memref<3025x8xf32, #tpu.memory_space<hbm>>
    tpu.enqueue_indirect_dma source(%dma_start3A_9 : memref<3025x8xf32, #tpu.memory_space<hbm>>) target(%dma_start3A_4 : memref<128x8xf32, #tpu.memory_space<vmem>>) offsets(%dma_start3A_6 : memref<128xi32, #tpu.memory_space<vmem>>) semaphore(%arg7 : memref<!tpu.dma_semaphore, #tpu.memory_space<semaphore_mem>>)
    %dma_start3A_10 = arith.constant 128 : i32
    %dma_start3A_11 = arith.constant 0 : i32
    %dma_start3A_12 = tpu.memref_slice %arg6[%dma_start3A_10, %dma_start3A_11] : memref<384x8xf32, #tpu.memory_space<vmem>> -> memref<128x8xf32, #tpu.memory_space<vmem>>
    %dma_start3A_13 = arith.constant 128 : i32
    %dma_start3A_14 = tpu.memref_slice %arg5[%dma_start3A_13] : memref<18816xi32, #tpu.memory_space<vmem>> -> memref<128xi32, #tpu.memory_space<vmem>>
    %dma_start3A_15 = arith.constant 0 : i32
    %dma_start3A_16 = arith.constant 0 : i32
    %dma_start3A_17 = tpu.memref_slice %arg3[%dma_start3A_15, %dma_start3A_16] : memref<3025x8xf32, #tpu.memory_space<hbm>> -> memref<3025x8xf32, #tpu.memory_space<hbm>>
    tpu.enqueue_indirect_dma source(%dma_start3A_17 : memref<3025x8xf32, #tpu.memory_space<hbm>>) target(%dma_start3A_12 : memref<128x8xf32, #tpu.memory_space<vmem>>) offsets(%dma_start3A_14 : memref<128xi32, #tpu.memory_space<vmem>>) semaphore(%arg8 : memref<!tpu.dma_semaphore, #tpu.memory_space<semaphore_mem>>)
    %dma_start3A_18 = arith.constant 256 : i32
    %dma_start3A_19 = arith.constant 0 : i32
    %dma_start3A_20 = tpu.memref_slice %arg6[%dma_start3A_18, %dma_start3A_19] : memref<384x8xf32, #tpu.memory_space<vmem>> -> memref<128x8xf32, #tpu.memory_space<vmem>>
    %dma_start3A_21 = arith.constant 256 : i32
    %dma_start3A_22 = tpu.memref_slice %arg5[%dma_start3A_21] : memref<18816xi32, #tpu.memory_space<vmem>> -> memref<128xi32, #tpu.memory_space<vmem>>
    %dma_start3A_23 = arith.constant 0 : i32
    %dma_start3A_24 = arith.constant 0 : i32
    %dma_start3A_25 = tpu.memref_slice %arg3[%dma_start3A_23, %dma_start3A_24] : memref<3025x8xf32, #tpu.memory_space<hbm>> -> memref<3025x8xf32, #tpu.memory_space<hbm>>
    tpu.enqueue_indirect_dma source(%dma_start3A_25 : memref<3025x8xf32, #tpu.memory_space<hbm>>) target(%dma_start3A_20 : memref<128x8xf32, #tpu.memory_space<vmem>>) offsets(%dma_start3A_22 : memref<128xi32, #tpu.memory_space<vmem>>) semaphore(%arg9 : memref<!tpu.dma_semaphore, #tpu.memory_space<semaphore_mem>>)
    %scan3A = arith.constant 0 : i32
    %scan3A_26 = arith.constant 0 : i32
    %scan3A_27 = arith.constant 49 : i32
    %scan3A_28 = arith.addi %scan3A_26, %scan3A_27 : i32
    %scan3A_29 = arith.constant 1 : i32
    scf.for %scan3A_66 = %scan3A_26 to %scan3A_28 step %scan3A_29  : i32 {
      %mul3A_67 = arith.constant 3 : i32
      %mul3A_68 = arith.muli %scan3A_66, %mul3A_67 : i32
      %add3A_69 = arith.constant 0 : i32
      %add3A_70 = arith.addi %mul3A_68, %add3A_69 : i32
      %mul3A_71 = arith.constant 128 : i32
      %mul3A_72 = arith.muli %add3A_70, %mul3A_71 : i32
      %dma_wait3A_73 = arith.constant 0 : i32
      %dma_wait3A_74 = arith.constant 0 : i32
      %dma_wait3A_75 = tpu.memref_slice %arg6[%dma_wait3A_73, %dma_wait3A_74] : memref<384x8xf32, #tpu.memory_space<vmem>> -> memref<128x8xf32, #tpu.memory_space<vmem>>
      %dma_wait3A_76 = tpu.memref_slice %arg5[%mul3A_72] : memref<18816xi32, #tpu.memory_space<vmem>> -> memref<128xi32, #tpu.memory_space<vmem>>
      %dma_wait3A_77 = arith.constant 0 : i32
      %dma_wait3A_78 = arith.constant 0 : i32
      %dma_wait3A_79 = tpu.memref_slice %arg3[%dma_wait3A_77, %dma_wait3A_78] : memref<3025x8xf32, #tpu.memory_space<hbm>> -> memref<3025x8xf32, #tpu.memory_space<hbm>>
      tpu.wait_indirect_dma semaphore(%arg7 : memref<!tpu.dma_semaphore, #tpu.memory_space<semaphore_mem>>) src(%dma_wait3A_79 : memref<3025x8xf32, #tpu.memory_space<hbm>>) dst(%dma_wait3A_75 : memref<128x8xf32, #tpu.memory_space<vmem>>)
      %mul3A_80 = arith.constant 128 : i32
      %mul3A_81 = arith.muli %add3A_70, %mul3A_80 : i32
      %add3A_82 = arith.addi %mul3A_2, %mul3A_81 : i32
      %dma_start3A_83 = arith.constant 0 : i32
      %dma_start3A_84 = arith.constant 0 : i32
      %dma_start3A_85 = tpu.memref_slice %arg6[%dma_start3A_83, %dma_start3A_84] : memref<384x8xf32, #tpu.memory_space<vmem>> -> memref<128x8xf32, #tpu.memory_space<vmem>>
      %dma_start3A_86 = arith.constant 0 : i32
      %dma_start3A_87 = tpu.memref_slice %arg4[%add3A_82, %dma_start3A_86] : memref<602112x8xf32, #tpu.memory_space<hbm>> -> memref<128x8xf32, #tpu.memory_space<hbm>>
      %dma_start3A_88 = arith.constant 0 : i32
      %dma_start3A_89 = tpu.memref_slice %arg4[%add3A_82, %dma_start3A_88] : memref<602112x8xf32, #tpu.memory_space<hbm>> -> memref<128x8xf32, #tpu.memory_space<hbm>>
      %dma_start3A_90 = arith.constant 0 : i32
      %dma_start3A_91 = arith.constant 0 : i32
      %dma_start3A_92 = tpu.memref_slice %arg6[%dma_start3A_90, %dma_start3A_91] : memref<384x8xf32, #tpu.memory_space<vmem>> -> memref<128x8xf32, #tpu.memory_space<vmem>>
      tpu.enqueue_dma source(%dma_start3A_92 : memref<128x8xf32, #tpu.memory_space<vmem>>) target(%dma_start3A_89 : memref<128x8xf32, #tpu.memory_space<hbm>>) target_semaphore(%arg10 : memref<!tpu.dma_semaphore, #tpu.memory_space<semaphore_mem>>)
      %lt3A = arith.constant 48 : i32
      %lt3A_93 = arith.cmpi slt, %scan3A_66, %lt3A : i32
      %convert_element_type3A = arith.extui %lt3A_93 : i1 to i32
      %cond3A = arith.constant 0 : i32
      %cond3A_94 = arith.cmpi ne, %convert_element_type3A, %cond3A : i32
      scf.if %cond3A_94 {
        %mul3A_157 = arith.constant 128 : i32
        %mul3A_158 = arith.muli %add3A_70, %mul3A_157 : i32
        %add3A_159 = arith.addi %mul3A_2, %mul3A_158 : i32
        %dma_wait3A_160 = arith.constant 0 : i32
        %dma_wait3A_161 = arith.constant 0 : i32
        %dma_wait3A_162 = tpu.memref_slice %arg6[%dma_wait3A_160, %dma_wait3A_161] : memref<384x8xf32, #tpu.memory_space<vmem>> -> memref<128x8xf32, #tpu.memory_space<vmem>>
        %dma_wait3A_163 = arith.constant 0 : i32
        %dma_wait3A_164 = tpu.memref_slice %arg4[%add3A_159, %dma_wait3A_163] : memref<602112x8xf32, #tpu.memory_space<hbm>> -> memref<128x8xf32, #tpu.memory_space<hbm>>
        %dma_wait3A_165 = arith.constant 0 : i32
        %dma_wait3A_166 = tpu.memref_slice %arg4[%add3A_159, %dma_wait3A_165] : memref<602112x8xf32, #tpu.memory_space<hbm>> -> memref<128x8xf32, #tpu.memory_space<hbm>>
        %dma_wait3A_167 = arith.constant 0 : i32
        %dma_wait3A_168 = arith.constant 0 : i32
        %dma_wait3A_169 = tpu.memref_slice %arg6[%dma_wait3A_167, %dma_wait3A_168] : memref<384x8xf32, #tpu.memory_space<vmem>> -> memref<128x8xf32, #tpu.memory_space<vmem>>
        tpu.wait_dma2 semaphore(%arg10 : memref<!tpu.dma_semaphore, #tpu.memory_space<semaphore_mem>>) src(%dma_wait3A_169 : memref<128x8xf32, #tpu.memory_space<vmem>>) dst(%dma_wait3A_166 : memref<128x8xf32, #tpu.memory_space<hbm>>)
        %add3A_170 = arith.constant 3 : i32
        %add3A_171 = arith.addi %add3A_70, %add3A_170 : i32
        %mul3A_172 = arith.constant 128 : i32
        %mul3A_173 = arith.muli %add3A_171, %mul3A_172 : i32
        %dma_start3A_174 = arith.constant 0 : i32
        %dma_start3A_175 = arith.constant 0 : i32
        %dma_start3A_176 = tpu.memref_slice %arg6[%dma_start3A_174, %dma_start3A_175] : memref<384x8xf32, #tpu.memory_space<vmem>> -> memref<128x8xf32, #tpu.memory_space<vmem>>
        %dma_start3A_177 = tpu.memref_slice %arg5[%mul3A_173] : memref<18816xi32, #tpu.memory_space<vmem>> -> memref<128xi32, #tpu.memory_space<vmem>>
        %dma_start3A_178 = arith.constant 0 : i32
        %dma_start3A_179 = arith.constant 0 : i32
        %dma_start3A_180 = tpu.memref_slice %arg3[%dma_start3A_178, %dma_start3A_179] : memref<3025x8xf32, #tpu.memory_space<hbm>> -> memref<3025x8xf32, #tpu.memory_space<hbm>>
        tpu.enqueue_indirect_dma source(%dma_start3A_180 : memref<3025x8xf32, #tpu.memory_space<hbm>>) target(%dma_start3A_176 : memref<128x8xf32, #tpu.memory_space<vmem>>) offsets(%dma_start3A_177 : memref<128xi32, #tpu.memory_space<vmem>>) semaphore(%arg7 : memref<!tpu.dma_semaphore, #tpu.memory_space<semaphore_mem>>)
      } else {
      }
      %mul3A_95 = arith.constant 3 : i32
      %mul3A_96 = arith.muli %scan3A_66, %mul3A_95 : i32
      %add3A_97 = arith.constant 1 : i32
      %add3A_98 = arith.addi %mul3A_96, %add3A_97 : i32
      %mul3A_99 = arith.constant 128 : i32
      %mul3A_100 = arith.muli %add3A_98, %mul3A_99 : i32
      %dma_wait3A_101 = arith.constant 128 : i32
      %dma_wait3A_102 = arith.constant 0 : i32
      %dma_wait3A_103 = tpu.memref_slice %arg6[%dma_wait3A_101, %dma_wait3A_102] : memref<384x8xf32, #tpu.memory_space<vmem>> -> memref<128x8xf32, #tpu.memory_space<vmem>>
      %dma_wait3A_104 = tpu.memref_slice %arg5[%mul3A_100] : memref<18816xi32, #tpu.memory_space<vmem>> -> memref<128xi32, #tpu.memory_space<vmem>>
      %dma_wait3A_105 = arith.constant 0 : i32
      %dma_wait3A_106 = arith.constant 0 : i32
      %dma_wait3A_107 = tpu.memref_slice %arg3[%dma_wait3A_105, %dma_wait3A_106] : memref<3025x8xf32, #tpu.memory_space<hbm>> -> memref<3025x8xf32, #tpu.memory_space<hbm>>
      tpu.wait_indirect_dma semaphore(%arg8 : memref<!tpu.dma_semaphore, #tpu.memory_space<semaphore_mem>>) src(%dma_wait3A_107 : memref<3025x8xf32, #tpu.memory_space<hbm>>) dst(%dma_wait3A_103 : memref<128x8xf32, #tpu.memory_space<vmem>>)
      %mul3A_108 = arith.constant 128 : i32
      %mul3A_109 = arith.muli %add3A_98, %mul3A_108 : i32
      %add3A_110 = arith.addi %mul3A_2, %mul3A_109 : i32
      %dma_start3A_111 = arith.constant 128 : i32
      %dma_start3A_112 = arith.constant 0 : i32
      %dma_start3A_113 = tpu.memref_slice %arg6[%dma_start3A_111, %dma_start3A_112] : memref<384x8xf32, #tpu.memory_space<vmem>> -> memref<128x8xf32, #tpu.memory_space<vmem>>
      %dma_start3A_114 = arith.constant 0 : i32
      %dma_start3A_115 = tpu.memref_slice %arg4[%add3A_110, %dma_start3A_114] : memref<602112x8xf32, #tpu.memory_space<hbm>> -> memref<128x8xf32, #tpu.memory_space<hbm>>
      %dma_start3A_116 = arith.constant 0 : i32
      %dma_start3A_117 = tpu.memref_slice %arg4[%add3A_110, %dma_start3A_116] : memref<602112x8xf32, #tpu.memory_space<hbm>> -> memref<128x8xf32, #tpu.memory_space<hbm>>
      %dma_start3A_118 = arith.constant 128 : i32
      %dma_start3A_119 = arith.constant 0 : i32
      %dma_start3A_120 = tpu.memref_slice %arg6[%dma_start3A_118, %dma_start3A_119] : memref<384x8xf32, #tpu.memory_space<vmem>> -> memref<128x8xf32, #tpu.memory_space<vmem>>
      tpu.enqueue_dma source(%dma_start3A_120 : memref<128x8xf32, #tpu.memory_space<vmem>>) target(%dma_start3A_117 : memref<128x8xf32, #tpu.memory_space<hbm>>) target_semaphore(%arg11 : memref<!tpu.dma_semaphore, #tpu.memory_space<semaphore_mem>>)
      %lt3A_121 = arith.constant 48 : i32
      %lt3A_122 = arith.cmpi slt, %scan3A_66, %lt3A_121 : i32
      %convert_element_type3A_123 = arith.extui %lt3A_122 : i1 to i32
      %cond3A_124 = arith.constant 0 : i32
      %cond3A_125 = arith.cmpi ne, %convert_element_type3A_123, %cond3A_124 : i32
      scf.if %cond3A_125 {
        %mul3A_157 = arith.constant 128 : i32
        %mul3A_158 = arith.muli %add3A_98, %mul3A_157 : i32
        %add3A_159 = arith.addi %mul3A_2, %mul3A_158 : i32
        %dma_wait3A_160 = arith.constant 128 : i32
        %dma_wait3A_161 = arith.constant 0 : i32
        %dma_wait3A_162 = tpu.memref_slice %arg6[%dma_wait3A_160, %dma_wait3A_161] : memref<384x8xf32, #tpu.memory_space<vmem>> -> memref<128x8xf32, #tpu.memory_space<vmem>>
        %dma_wait3A_163 = arith.constant 0 : i32
        %dma_wait3A_164 = tpu.memref_slice %arg4[%add3A_159, %dma_wait3A_163] : memref<602112x8xf32, #tpu.memory_space<hbm>> -> memref<128x8xf32, #tpu.memory_space<hbm>>
        %dma_wait3A_165 = arith.constant 0 : i32
        %dma_wait3A_166 = tpu.memref_slice %arg4[%add3A_159, %dma_wait3A_165] : memref<602112x8xf32, #tpu.memory_space<hbm>> -> memref<128x8xf32, #tpu.memory_space<hbm>>
        %dma_wait3A_167 = arith.constant 128 : i32
        %dma_wait3A_168 = arith.constant 0 : i32
        %dma_wait3A_169 = tpu.memref_slice %arg6[%dma_wait3A_167, %dma_wait3A_168] : memref<384x8xf32, #tpu.memory_space<vmem>> -> memref<128x8xf32, #tpu.memory_space<vmem>>
        tpu.wait_dma2 semaphore(%arg11 : memref<!tpu.dma_semaphore, #tpu.memory_space<semaphore_mem>>) src(%dma_wait3A_169 : memref<128x8xf32, #tpu.memory_space<vmem>>) dst(%dma_wait3A_166 : memref<128x8xf32, #tpu.memory_space<hbm>>)
        %add3A_170 = arith.constant 3 : i32
        %add3A_171 = arith.addi %add3A_98, %add3A_170 : i32
        %mul3A_172 = arith.constant 128 : i32
        %mul3A_173 = arith.muli %add3A_171, %mul3A_172 : i32
        %dma_start3A_174 = arith.constant 128 : i32
        %dma_start3A_175 = arith.constant 0 : i32
        %dma_start3A_176 = tpu.memref_slice %arg6[%dma_start3A_174, %dma_start3A_175] : memref<384x8xf32, #tpu.memory_space<vmem>> -> memref<128x8xf32, #tpu.memory_space<vmem>>
        %dma_start3A_177 = tpu.memref_slice %arg5[%mul3A_173] : memref<18816xi32, #tpu.memory_space<vmem>> -> memref<128xi32, #tpu.memory_space<vmem>>
        %dma_start3A_178 = arith.constant 0 : i32
        %dma_start3A_179 = arith.constant 0 : i32
        %dma_start3A_180 = tpu.memref_slice %arg3[%dma_start3A_178, %dma_start3A_179] : memref<3025x8xf32, #tpu.memory_space<hbm>> -> memref<3025x8xf32, #tpu.memory_space<hbm>>
        tpu.enqueue_indirect_dma source(%dma_start3A_180 : memref<3025x8xf32, #tpu.memory_space<hbm>>) target(%dma_start3A_176 : memref<128x8xf32, #tpu.memory_space<vmem>>) offsets(%dma_start3A_177 : memref<128xi32, #tpu.memory_space<vmem>>) semaphore(%arg8 : memref<!tpu.dma_semaphore, #tpu.memory_space<semaphore_mem>>)
      } else {
      }
      %mul3A_126 = arith.constant 3 : i32
      %mul3A_127 = arith.muli %scan3A_66, %mul3A_126 : i32
      %add3A_128 = arith.constant 2 : i32
      %add3A_129 = arith.addi %mul3A_127, %add3A_128 : i32
      %mul3A_130 = arith.constant 128 : i32
      %mul3A_131 = arith.muli %add3A_129, %mul3A_130 : i32
      %dma_wait3A_132 = arith.constant 256 : i32
      %dma_wait3A_133 = arith.constant 0 : i32
      %dma_wait3A_134 = tpu.memref_slice %arg6[%dma_wait3A_132, %dma_wait3A_133] : memref<384x8xf32, #tpu.memory_space<vmem>> -> memref<128x8xf32, #tpu.memory_space<vmem>>
      %dma_wait3A_135 = tpu.memref_slice %arg5[%mul3A_131] : memref<18816xi32, #tpu.memory_space<vmem>> -> memref<128xi32, #tpu.memory_space<vmem>>
      %dma_wait3A_136 = arith.constant 0 : i32
      %dma_wait3A_137 = arith.constant 0 : i32
      %dma_wait3A_138 = tpu.memref_slice %arg3[%dma_wait3A_136, %dma_wait3A_137] : memref<3025x8xf32, #tpu.memory_space<hbm>> -> memref<3025x8xf32, #tpu.memory_space<hbm>>
      tpu.wait_indirect_dma semaphore(%arg9 : memref<!tpu.dma_semaphore, #tpu.memory_space<semaphore_mem>>) src(%dma_wait3A_138 : memref<3025x8xf32, #tpu.memory_space<hbm>>) dst(%dma_wait3A_134 : memref<128x8xf32, #tpu.memory_space<vmem>>)
      %mul3A_139 = arith.constant 128 : i32
      %mul3A_140 = arith.muli %add3A_129, %mul3A_139 : i32
      %add3A_141 = arith.addi %mul3A_2, %mul3A_140 : i32
      %dma_start3A_142 = arith.constant 256 : i32
      %dma_start3A_143 = arith.constant 0 : i32
      %dma_start3A_144 = tpu.memref_slice %arg6[%dma_start3A_142, %dma_start3A_143] : memref<384x8xf32, #tpu.memory_space<vmem>> -> memref<128x8xf32, #tpu.memory_space<vmem>>
      %dma_start3A_145 = arith.constant 0 : i32
      %dma_start3A_146 = tpu.memref_slice %arg4[%add3A_141, %dma_start3A_145] : memref<602112x8xf32, #tpu.memory_space<hbm>> -> memref<128x8xf32, #tpu.memory_space<hbm>>
      %dma_start3A_147 = arith.constant 0 : i32
      %dma_start3A_148 = tpu.memref_slice %arg4[%add3A_141, %dma_start3A_147] : memref<602112x8xf32, #tpu.memory_space<hbm>> -> memref<128x8xf32, #tpu.memory_space<hbm>>
      %dma_start3A_149 = arith.constant 256 : i32
      %dma_start3A_150 = arith.constant 0 : i32
      %dma_start3A_151 = tpu.memref_slice %arg6[%dma_start3A_149, %dma_start3A_150] : memref<384x8xf32, #tpu.memory_space<vmem>> -> memref<128x8xf32, #tpu.memory_space<vmem>>
      tpu.enqueue_dma source(%dma_start3A_151 : memref<128x8xf32, #tpu.memory_space<vmem>>) target(%dma_start3A_148 : memref<128x8xf32, #tpu.memory_space<hbm>>) target_semaphore(%arg12 : memref<!tpu.dma_semaphore, #tpu.memory_space<semaphore_mem>>)
      %lt3A_152 = arith.constant 48 : i32
      %lt3A_153 = arith.cmpi slt, %scan3A_66, %lt3A_152 : i32
      %convert_element_type3A_154 = arith.extui %lt3A_153 : i1 to i32
      %cond3A_155 = arith.constant 0 : i32
      %cond3A_156 = arith.cmpi ne, %convert_element_type3A_154, %cond3A_155 : i32
      scf.if %cond3A_156 {
        %mul3A_157 = arith.constant 128 : i32
        %mul3A_158 = arith.muli %add3A_129, %mul3A_157 : i32
        %add3A_159 = arith.addi %mul3A_2, %mul3A_158 : i32
        %dma_wait3A_160 = arith.constant 256 : i32
        %dma_wait3A_161 = arith.constant 0 : i32
        %dma_wait3A_162 = tpu.memref_slice %arg6[%dma_wait3A_160, %dma_wait3A_161] : memref<384x8xf32, #tpu.memory_space<vmem>> -> memref<128x8xf32, #tpu.memory_space<vmem>>
        %dma_wait3A_163 = arith.constant 0 : i32
        %dma_wait3A_164 = tpu.memref_slice %arg4[%add3A_159, %dma_wait3A_163] : memref<602112x8xf32, #tpu.memory_space<hbm>> -> memref<128x8xf32, #tpu.memory_space<hbm>>
        %dma_wait3A_165 = arith.constant 0 : i32
        %dma_wait3A_166 = tpu.memref_slice %arg4[%add3A_159, %dma_wait3A_165] : memref<602112x8xf32, #tpu.memory_space<hbm>> -> memref<128x8xf32, #tpu.memory_space<hbm>>
        %dma_wait3A_167 = arith.constant 256 : i32
        %dma_wait3A_168 = arith.constant 0 : i32
        %dma_wait3A_169 = tpu.memref_slice %arg6[%dma_wait3A_167, %dma_wait3A_168] : memref<384x8xf32, #tpu.memory_space<vmem>> -> memref<128x8xf32, #tpu.memory_space<vmem>>
        tpu.wait_dma2 semaphore(%arg12 : memref<!tpu.dma_semaphore, #tpu.memory_space<semaphore_mem>>) src(%dma_wait3A_169 : memref<128x8xf32, #tpu.memory_space<vmem>>) dst(%dma_wait3A_166 : memref<128x8xf32, #tpu.memory_space<hbm>>)
        %add3A_170 = arith.constant 3 : i32
        %add3A_171 = arith.addi %add3A_129, %add3A_170 : i32
        %mul3A_172 = arith.constant 128 : i32
        %mul3A_173 = arith.muli %add3A_171, %mul3A_172 : i32
        %dma_start3A_174 = arith.constant 256 : i32
        %dma_start3A_175 = arith.constant 0 : i32
        %dma_start3A_176 = tpu.memref_slice %arg6[%dma_start3A_174, %dma_start3A_175] : memref<384x8xf32, #tpu.memory_space<vmem>> -> memref<128x8xf32, #tpu.memory_space<vmem>>
        %dma_start3A_177 = tpu.memref_slice %arg5[%mul3A_173] : memref<18816xi32, #tpu.memory_space<vmem>> -> memref<128xi32, #tpu.memory_space<vmem>>
        %dma_start3A_178 = arith.constant 0 : i32
        %dma_start3A_179 = arith.constant 0 : i32
        %dma_start3A_180 = tpu.memref_slice %arg3[%dma_start3A_178, %dma_start3A_179] : memref<3025x8xf32, #tpu.memory_space<hbm>> -> memref<3025x8xf32, #tpu.memory_space<hbm>>
        tpu.enqueue_indirect_dma source(%dma_start3A_180 : memref<3025x8xf32, #tpu.memory_space<hbm>>) target(%dma_start3A_176 : memref<128x8xf32, #tpu.memory_space<vmem>>) offsets(%dma_start3A_177 : memref<128xi32, #tpu.memory_space<vmem>>) semaphore(%arg9 : memref<!tpu.dma_semaphore, #tpu.memory_space<semaphore_mem>>)
      } else {
      }
    }
    %scan3A_30 = arith.constant 49 : i32
    %add3A_31 = arith.constant 18432 : i32
    %add3A_32 = arith.addi %mul3A_2, %add3A_31 : i32
    %dma_wait3A = arith.constant 0 : i32
    %dma_wait3A_33 = arith.constant 0 : i32
    %dma_wait3A_34 = tpu.memref_slice %arg6[%dma_wait3A, %dma_wait3A_33] : memref<384x8xf32, #tpu.memory_space<vmem>> -> memref<128x8xf32, #tpu.memory_space<vmem>>
    %dma_wait3A_35 = arith.constant 0 : i32
    %dma_wait3A_36 = tpu.memref_slice %arg4[%add3A_32, %dma_wait3A_35] : memref<602112x8xf32, #tpu.memory_space<hbm>> -> memref<128x8xf32, #tpu.memory_space<hbm>>
    %dma_wait3A_37 = arith.constant 0 : i32
    %dma_wait3A_38 = tpu.memref_slice %arg4[%add3A_32, %dma_wait3A_37] : memref<602112x8xf32, #tpu.memory_space<hbm>> -> memref<128x8xf32, #tpu.memory_space<hbm>>
    %dma_wait3A_39 = arith.constant 0 : i32
    %dma_wait3A_40 = arith.constant 0 : i32
    %dma_wait3A_41 = tpu.memref_slice %arg6[%dma_wait3A_39, %dma_wait3A_40] : memref<384x8xf32, #tpu.memory_space<vmem>> -> memref<128x8xf32, #tpu.memory_space<vmem>>
    tpu.wait_dma2 semaphore(%arg10 : memref<!tpu.dma_semaphore, #tpu.memory_space<semaphore_mem>>) src(%dma_wait3A_41 : memref<128x8xf32, #tpu.memory_space<vmem>>) dst(%dma_wait3A_38 : memref<128x8xf32, #tpu.memory_space<hbm>>)
    %add3A_42 = arith.constant 18560 : i32
    %add3A_43 = arith.addi %mul3A_2, %add3A_42 : i32
    %dma_wait3A_44 = arith.constant 128 : i32
    %dma_wait3A_45 = arith.constant 0 : i32
    %dma_wait3A_46 = tpu.memref_slice %arg6[%dma_wait3A_44, %dma_wait3A_45] : memref<384x8xf32, #tpu.memory_space<vmem>> -> memref<128x8xf32, #tpu.memory_space<vmem>>
    %dma_wait3A_47 = arith.constant 0 : i32
    %dma_wait3A_48 = tpu.memref_slice %arg4[%add3A_43, %dma_wait3A_47] : memref<602112x8xf32, #tpu.memory_space<hbm>> -> memref<128x8xf32, #tpu.memory_space<hbm>>
    %dma_wait3A_49 = arith.constant 0 : i32
    %dma_wait3A_50 = tpu.memref_slice %arg4[%add3A_43, %dma_wait3A_49] : memref<602112x8xf32, #tpu.memory_space<hbm>> -> memref<128x8xf32, #tpu.memory_space<hbm>>
    %dma_wait3A_51 = arith.constant 128 : i32
    %dma_wait3A_52 = arith.constant 0 : i32
    %dma_wait3A_53 = tpu.memref_slice %arg6[%dma_wait3A_51, %dma_wait3A_52] : memref<384x8xf32, #tpu.memory_space<vmem>> -> memref<128x8xf32, #tpu.memory_space<vmem>>
    tpu.wait_dma2 semaphore(%arg11 : memref<!tpu.dma_semaphore, #tpu.memory_space<semaphore_mem>>) src(%dma_wait3A_53 : memref<128x8xf32, #tpu.memory_space<vmem>>) dst(%dma_wait3A_50 : memref<128x8xf32, #tpu.memory_space<hbm>>)
    %add3A_54 = arith.constant 18688 : i32
    %add3A_55 = arith.addi %mul3A_2, %add3A_54 : i32
    %dma_wait3A_56 = arith.constant 256 : i32
    %dma_wait3A_57 = arith.constant 0 : i32
    %dma_wait3A_58 = tpu.memref_slice %arg6[%dma_wait3A_56, %dma_wait3A_57] : memref<384x8xf32, #tpu.memory_space<vmem>> -> memref<128x8xf32, #tpu.memory_space<vmem>>
    %dma_wait3A_59 = arith.constant 0 : i32
    %dma_wait3A_60 = tpu.memref_slice %arg4[%add3A_55, %dma_wait3A_59] : memref<602112x8xf32, #tpu.memory_space<hbm>> -> memref<128x8xf32, #tpu.memory_space<hbm>>
    %dma_wait3A_61 = arith.constant 0 : i32
    %dma_wait3A_62 = tpu.memref_slice %arg4[%add3A_55, %dma_wait3A_61] : memref<602112x8xf32, #tpu.memory_space<hbm>> -> memref<128x8xf32, #tpu.memory_space<hbm>>
    %dma_wait3A_63 = arith.constant 256 : i32
    %dma_wait3A_64 = arith.constant 0 : i32
    %dma_wait3A_65 = tpu.memref_slice %arg6[%dma_wait3A_63, %dma_wait3A_64] : memref<384x8xf32, #tpu.memory_space<vmem>> -> memref<128x8xf32, #tpu.memory_space<vmem>>
    tpu.wait_dma2 semaphore(%arg12 : memref<!tpu.dma_semaphore, #tpu.memory_space<semaphore_mem>>) src(%dma_wait3A_65 : memref<128x8xf32, #tpu.memory_space<vmem>>) dst(%dma_wait3A_62 : memref<128x8xf32, #tpu.memory_space<hbm>>)
    return
  }
}

#map = affine_map<(d0, d1) -> (0)>
#map1 = affine_map<(d0, d1) -> (0, 0)>
module attributes {stable_mosaic.version = 14 : i64} {
  func.func @sc_gather(%arg0: i32, %arg1: i32, %arg2: memref<602112xi32, #tpu.memory_space<hbm>>, %arg3: memref<12544x256xf32, #tpu.memory_space<hbm>>, %arg4: memref<602112x256xf32, #tpu.memory_space<hbm>>, %arg5: memref<18816xi32, #tpu.memory_space<vmem>>, %arg6: memref<384x256xf32, #tpu.memory_space<vmem>>, %arg7: memref<!tpu.dma_semaphore, #tpu.memory_space<semaphore_mem>>, %arg8: memref<!tpu.dma_semaphore, #tpu.memory_space<semaphore_mem>>, %arg9: memref<!tpu.dma_semaphore, #tpu.memory_space<semaphore_mem>>, %arg10: memref<!tpu.dma_semaphore, #tpu.memory_space<semaphore_mem>>, %arg11: memref<!tpu.dma_semaphore, #tpu.memory_space<semaphore_mem>>, %arg12: memref<!tpu.dma_semaphore, #tpu.memory_space<semaphore_mem>>) attributes {dimension_semantics = [#tpu.dimension_semantics<core_parallel>, #tpu.dimension_semantics<subcore_parallel>], iteration_bounds = array<i64: 2, 16>, scalar_prefetch = 0 : i64, scratch_operands = 8 : i64, tpu.core_type = #tpu.core_type<sc_vector_subcore>, window_params = [{transform_indices = #map}, {transform_indices = #map1}, {transform_indices = #map1}]} {
    %mul3A = arith.constant 2 : i32
    %mul3A_0 = arith.muli %arg1, %mul3A : i32
    %add3A = arith.addi %mul3A_0, %arg0 : i32
    %mul3A_1 = arith.constant 18816 : i32
    %mul3A_2 = arith.muli %add3A, %mul3A_1 : i32
    "tpu.region"() ({
      %run_scoped3A = tpu.sem_alloc : memref<!tpu.dma_semaphore, #tpu.memory_space<semaphore_mem>>
      %dma_start3A_66 = tpu.memref_slice %arg2[%mul3A_2] : memref<602112xi32, #tpu.memory_space<hbm>> -> memref<18816xi32, #tpu.memory_space<hbm>>
      %dma_start3A_67 = tpu.memref_slice %arg2[%mul3A_2] : memref<602112xi32, #tpu.memory_space<hbm>> -> memref<18816xi32, #tpu.memory_space<hbm>>
      tpu.enqueue_dma source(%dma_start3A_67 : memref<18816xi32, #tpu.memory_space<hbm>>) target(%arg5 : memref<18816xi32, #tpu.memory_space<vmem>>) target_semaphore(%run_scoped3A : memref<!tpu.dma_semaphore, #tpu.memory_space<semaphore_mem>>)
      %dma_wait3A_68 = tpu.memref_slice %arg2[%mul3A_2] : memref<602112xi32, #tpu.memory_space<hbm>> -> memref<18816xi32, #tpu.memory_space<hbm>>
      %dma_wait3A_69 = tpu.memref_slice %arg2[%mul3A_2] : memref<602112xi32, #tpu.memory_space<hbm>> -> memref<18816xi32, #tpu.memory_space<hbm>>
      tpu.wait_dma2 semaphore(%run_scoped3A : memref<!tpu.dma_semaphore, #tpu.memory_space<semaphore_mem>>) src(%dma_wait3A_69 : memref<18816xi32, #tpu.memory_space<hbm>>) dst(%arg5 : memref<18816xi32, #tpu.memory_space<vmem>>)
      tpu.yield
    }) : () -> ()
    %dma_start3A = arith.constant 0 : i32
    %dma_start3A_3 = arith.constant 0 : i32
    %dma_start3A_4 = tpu.memref_slice %arg6[%dma_start3A, %dma_start3A_3] : memref<384x256xf32, #tpu.memory_space<vmem>> -> memref<128x256xf32, #tpu.memory_space<vmem>>
    %dma_start3A_5 = arith.constant 0 : i32
    %dma_start3A_6 = tpu.memref_slice %arg5[%dma_start3A_5] : memref<18816xi32, #tpu.memory_space<vmem>> -> memref<128xi32, #tpu.memory_space<vmem>>
    %dma_start3A_7 = arith.constant 0 : i32
    %dma_start3A_8 = arith.constant 0 : i32
    %dma_start3A_9 = tpu.memref_slice %arg3[%dma_start3A_7, %dma_start3A_8] : memref<12544x256xf32, #tpu.memory_space<hbm>> -> memref<12544x256xf32, #tpu.memory_space<hbm>>
    tpu.enqueue_indirect_dma source(%dma_start3A_9 : memref<12544x256xf32, #tpu.memory_space<hbm>>) target(%dma_start3A_4 : memref<128x256xf32, #tpu.memory_space<vmem>>) offsets(%dma_start3A_6 : memref<128xi32, #tpu.memory_space<vmem>>) semaphore(%arg7 : memref<!tpu.dma_semaphore, #tpu.memory_space<semaphore_mem>>)
    %dma_start3A_10 = arith.constant 128 : i32
    %dma_start3A_11 = arith.constant 0 : i32
    %dma_start3A_12 = tpu.memref_slice %arg6[%dma_start3A_10, %dma_start3A_11] : memref<384x256xf32, #tpu.memory_space<vmem>> -> memref<128x256xf32, #tpu.memory_space<vmem>>
    %dma_start3A_13 = arith.constant 128 : i32
    %dma_start3A_14 = tpu.memref_slice %arg5[%dma_start3A_13] : memref<18816xi32, #tpu.memory_space<vmem>> -> memref<128xi32, #tpu.memory_space<vmem>>
    %dma_start3A_15 = arith.constant 0 : i32
    %dma_start3A_16 = arith.constant 0 : i32
    %dma_start3A_17 = tpu.memref_slice %arg3[%dma_start3A_15, %dma_start3A_16] : memref<12544x256xf32, #tpu.memory_space<hbm>> -> memref<12544x256xf32, #tpu.memory_space<hbm>>
    tpu.enqueue_indirect_dma source(%dma_start3A_17 : memref<12544x256xf32, #tpu.memory_space<hbm>>) target(%dma_start3A_12 : memref<128x256xf32, #tpu.memory_space<vmem>>) offsets(%dma_start3A_14 : memref<128xi32, #tpu.memory_space<vmem>>) semaphore(%arg8 : memref<!tpu.dma_semaphore, #tpu.memory_space<semaphore_mem>>)
    %dma_start3A_18 = arith.constant 256 : i32
    %dma_start3A_19 = arith.constant 0 : i32
    %dma_start3A_20 = tpu.memref_slice %arg6[%dma_start3A_18, %dma_start3A_19] : memref<384x256xf32, #tpu.memory_space<vmem>> -> memref<128x256xf32, #tpu.memory_space<vmem>>
    %dma_start3A_21 = arith.constant 256 : i32
    %dma_start3A_22 = tpu.memref_slice %arg5[%dma_start3A_21] : memref<18816xi32, #tpu.memory_space<vmem>> -> memref<128xi32, #tpu.memory_space<vmem>>
    %dma_start3A_23 = arith.constant 0 : i32
    %dma_start3A_24 = arith.constant 0 : i32
    %dma_start3A_25 = tpu.memref_slice %arg3[%dma_start3A_23, %dma_start3A_24] : memref<12544x256xf32, #tpu.memory_space<hbm>> -> memref<12544x256xf32, #tpu.memory_space<hbm>>
    tpu.enqueue_indirect_dma source(%dma_start3A_25 : memref<12544x256xf32, #tpu.memory_space<hbm>>) target(%dma_start3A_20 : memref<128x256xf32, #tpu.memory_space<vmem>>) offsets(%dma_start3A_22 : memref<128xi32, #tpu.memory_space<vmem>>) semaphore(%arg9 : memref<!tpu.dma_semaphore, #tpu.memory_space<semaphore_mem>>)
    %scan3A = arith.constant 0 : i32
    %scan3A_26 = arith.constant 0 : i32
    %scan3A_27 = arith.constant 49 : i32
    %scan3A_28 = arith.addi %scan3A_26, %scan3A_27 : i32
    %scan3A_29 = arith.constant 1 : i32
    scf.for %scan3A_66 = %scan3A_26 to %scan3A_28 step %scan3A_29  : i32 {
      %mul3A_67 = arith.constant 3 : i32
      %mul3A_68 = arith.muli %scan3A_66, %mul3A_67 : i32
      %add3A_69 = arith.constant 0 : i32
      %add3A_70 = arith.addi %mul3A_68, %add3A_69 : i32
      %mul3A_71 = arith.constant 128 : i32
      %mul3A_72 = arith.muli %add3A_70, %mul3A_71 : i32
      %dma_wait3A_73 = arith.constant 0 : i32
      %dma_wait3A_74 = arith.constant 0 : i32
      %dma_wait3A_75 = tpu.memref_slice %arg6[%dma_wait3A_73, %dma_wait3A_74] : memref<384x256xf32, #tpu.memory_space<vmem>> -> memref<128x256xf32, #tpu.memory_space<vmem>>
      %dma_wait3A_76 = tpu.memref_slice %arg5[%mul3A_72] : memref<18816xi32, #tpu.memory_space<vmem>> -> memref<128xi32, #tpu.memory_space<vmem>>
      %dma_wait3A_77 = arith.constant 0 : i32
      %dma_wait3A_78 = arith.constant 0 : i32
      %dma_wait3A_79 = tpu.memref_slice %arg3[%dma_wait3A_77, %dma_wait3A_78] : memref<12544x256xf32, #tpu.memory_space<hbm>> -> memref<12544x256xf32, #tpu.memory_space<hbm>>
      tpu.wait_indirect_dma semaphore(%arg7 : memref<!tpu.dma_semaphore, #tpu.memory_space<semaphore_mem>>) src(%dma_wait3A_79 : memref<12544x256xf32, #tpu.memory_space<hbm>>) dst(%dma_wait3A_75 : memref<128x256xf32, #tpu.memory_space<vmem>>)
      %mul3A_80 = arith.constant 128 : i32
      %mul3A_81 = arith.muli %add3A_70, %mul3A_80 : i32
      %add3A_82 = arith.addi %mul3A_2, %mul3A_81 : i32
      %dma_start3A_83 = arith.constant 0 : i32
      %dma_start3A_84 = arith.constant 0 : i32
      %dma_start3A_85 = tpu.memref_slice %arg6[%dma_start3A_83, %dma_start3A_84] : memref<384x256xf32, #tpu.memory_space<vmem>> -> memref<128x256xf32, #tpu.memory_space<vmem>>
      %dma_start3A_86 = arith.constant 0 : i32
      %dma_start3A_87 = tpu.memref_slice %arg4[%add3A_82, %dma_start3A_86] : memref<602112x256xf32, #tpu.memory_space<hbm>> -> memref<128x256xf32, #tpu.memory_space<hbm>>
      %dma_start3A_88 = arith.constant 0 : i32
      %dma_start3A_89 = tpu.memref_slice %arg4[%add3A_82, %dma_start3A_88] : memref<602112x256xf32, #tpu.memory_space<hbm>> -> memref<128x256xf32, #tpu.memory_space<hbm>>
      %dma_start3A_90 = arith.constant 0 : i32
      %dma_start3A_91 = arith.constant 0 : i32
      %dma_start3A_92 = tpu.memref_slice %arg6[%dma_start3A_90, %dma_start3A_91] : memref<384x256xf32, #tpu.memory_space<vmem>> -> memref<128x256xf32, #tpu.memory_space<vmem>>
      tpu.enqueue_dma source(%dma_start3A_92 : memref<128x256xf32, #tpu.memory_space<vmem>>) target(%dma_start3A_89 : memref<128x256xf32, #tpu.memory_space<hbm>>) target_semaphore(%arg10 : memref<!tpu.dma_semaphore, #tpu.memory_space<semaphore_mem>>)
      %lt3A = arith.constant 48 : i32
      %lt3A_93 = arith.cmpi slt, %scan3A_66, %lt3A : i32
      %convert_element_type3A = arith.extui %lt3A_93 : i1 to i32
      %cond3A = arith.constant 0 : i32
      %cond3A_94 = arith.cmpi ne, %convert_element_type3A, %cond3A : i32
      scf.if %cond3A_94 {
        %mul3A_157 = arith.constant 128 : i32
        %mul3A_158 = arith.muli %add3A_70, %mul3A_157 : i32
        %add3A_159 = arith.addi %mul3A_2, %mul3A_158 : i32
        %dma_wait3A_160 = arith.constant 0 : i32
        %dma_wait3A_161 = arith.constant 0 : i32
        %dma_wait3A_162 = tpu.memref_slice %arg6[%dma_wait3A_160, %dma_wait3A_161] : memref<384x256xf32, #tpu.memory_space<vmem>> -> memref<128x256xf32, #tpu.memory_space<vmem>>
        %dma_wait3A_163 = arith.constant 0 : i32
        %dma_wait3A_164 = tpu.memref_slice %arg4[%add3A_159, %dma_wait3A_163] : memref<602112x256xf32, #tpu.memory_space<hbm>> -> memref<128x256xf32, #tpu.memory_space<hbm>>
        %dma_wait3A_165 = arith.constant 0 : i32
        %dma_wait3A_166 = tpu.memref_slice %arg4[%add3A_159, %dma_wait3A_165] : memref<602112x256xf32, #tpu.memory_space<hbm>> -> memref<128x256xf32, #tpu.memory_space<hbm>>
        %dma_wait3A_167 = arith.constant 0 : i32
        %dma_wait3A_168 = arith.constant 0 : i32
        %dma_wait3A_169 = tpu.memref_slice %arg6[%dma_wait3A_167, %dma_wait3A_168] : memref<384x256xf32, #tpu.memory_space<vmem>> -> memref<128x256xf32, #tpu.memory_space<vmem>>
        tpu.wait_dma2 semaphore(%arg10 : memref<!tpu.dma_semaphore, #tpu.memory_space<semaphore_mem>>) src(%dma_wait3A_169 : memref<128x256xf32, #tpu.memory_space<vmem>>) dst(%dma_wait3A_166 : memref<128x256xf32, #tpu.memory_space<hbm>>)
        %add3A_170 = arith.constant 3 : i32
        %add3A_171 = arith.addi %add3A_70, %add3A_170 : i32
        %mul3A_172 = arith.constant 128 : i32
        %mul3A_173 = arith.muli %add3A_171, %mul3A_172 : i32
        %dma_start3A_174 = arith.constant 0 : i32
        %dma_start3A_175 = arith.constant 0 : i32
        %dma_start3A_176 = tpu.memref_slice %arg6[%dma_start3A_174, %dma_start3A_175] : memref<384x256xf32, #tpu.memory_space<vmem>> -> memref<128x256xf32, #tpu.memory_space<vmem>>
        %dma_start3A_177 = tpu.memref_slice %arg5[%mul3A_173] : memref<18816xi32, #tpu.memory_space<vmem>> -> memref<128xi32, #tpu.memory_space<vmem>>
        %dma_start3A_178 = arith.constant 0 : i32
        %dma_start3A_179 = arith.constant 0 : i32
        %dma_start3A_180 = tpu.memref_slice %arg3[%dma_start3A_178, %dma_start3A_179] : memref<12544x256xf32, #tpu.memory_space<hbm>> -> memref<12544x256xf32, #tpu.memory_space<hbm>>
        tpu.enqueue_indirect_dma source(%dma_start3A_180 : memref<12544x256xf32, #tpu.memory_space<hbm>>) target(%dma_start3A_176 : memref<128x256xf32, #tpu.memory_space<vmem>>) offsets(%dma_start3A_177 : memref<128xi32, #tpu.memory_space<vmem>>) semaphore(%arg7 : memref<!tpu.dma_semaphore, #tpu.memory_space<semaphore_mem>>)
      } else {
      }
      %mul3A_95 = arith.constant 3 : i32
      %mul3A_96 = arith.muli %scan3A_66, %mul3A_95 : i32
      %add3A_97 = arith.constant 1 : i32
      %add3A_98 = arith.addi %mul3A_96, %add3A_97 : i32
      %mul3A_99 = arith.constant 128 : i32
      %mul3A_100 = arith.muli %add3A_98, %mul3A_99 : i32
      %dma_wait3A_101 = arith.constant 128 : i32
      %dma_wait3A_102 = arith.constant 0 : i32
      %dma_wait3A_103 = tpu.memref_slice %arg6[%dma_wait3A_101, %dma_wait3A_102] : memref<384x256xf32, #tpu.memory_space<vmem>> -> memref<128x256xf32, #tpu.memory_space<vmem>>
      %dma_wait3A_104 = tpu.memref_slice %arg5[%mul3A_100] : memref<18816xi32, #tpu.memory_space<vmem>> -> memref<128xi32, #tpu.memory_space<vmem>>
      %dma_wait3A_105 = arith.constant 0 : i32
      %dma_wait3A_106 = arith.constant 0 : i32
      %dma_wait3A_107 = tpu.memref_slice %arg3[%dma_wait3A_105, %dma_wait3A_106] : memref<12544x256xf32, #tpu.memory_space<hbm>> -> memref<12544x256xf32, #tpu.memory_space<hbm>>
      tpu.wait_indirect_dma semaphore(%arg8 : memref<!tpu.dma_semaphore, #tpu.memory_space<semaphore_mem>>) src(%dma_wait3A_107 : memref<12544x256xf32, #tpu.memory_space<hbm>>) dst(%dma_wait3A_103 : memref<128x256xf32, #tpu.memory_space<vmem>>)
      %mul3A_108 = arith.constant 128 : i32
      %mul3A_109 = arith.muli %add3A_98, %mul3A_108 : i32
      %add3A_110 = arith.addi %mul3A_2, %mul3A_109 : i32
      %dma_start3A_111 = arith.constant 128 : i32
      %dma_start3A_112 = arith.constant 0 : i32
      %dma_start3A_113 = tpu.memref_slice %arg6[%dma_start3A_111, %dma_start3A_112] : memref<384x256xf32, #tpu.memory_space<vmem>> -> memref<128x256xf32, #tpu.memory_space<vmem>>
      %dma_start3A_114 = arith.constant 0 : i32
      %dma_start3A_115 = tpu.memref_slice %arg4[%add3A_110, %dma_start3A_114] : memref<602112x256xf32, #tpu.memory_space<hbm>> -> memref<128x256xf32, #tpu.memory_space<hbm>>
      %dma_start3A_116 = arith.constant 0 : i32
      %dma_start3A_117 = tpu.memref_slice %arg4[%add3A_110, %dma_start3A_116] : memref<602112x256xf32, #tpu.memory_space<hbm>> -> memref<128x256xf32, #tpu.memory_space<hbm>>
      %dma_start3A_118 = arith.constant 128 : i32
      %dma_start3A_119 = arith.constant 0 : i32
      %dma_start3A_120 = tpu.memref_slice %arg6[%dma_start3A_118, %dma_start3A_119] : memref<384x256xf32, #tpu.memory_space<vmem>> -> memref<128x256xf32, #tpu.memory_space<vmem>>
      tpu.enqueue_dma source(%dma_start3A_120 : memref<128x256xf32, #tpu.memory_space<vmem>>) target(%dma_start3A_117 : memref<128x256xf32, #tpu.memory_space<hbm>>) target_semaphore(%arg11 : memref<!tpu.dma_semaphore, #tpu.memory_space<semaphore_mem>>)
      %lt3A_121 = arith.constant 48 : i32
      %lt3A_122 = arith.cmpi slt, %scan3A_66, %lt3A_121 : i32
      %convert_element_type3A_123 = arith.extui %lt3A_122 : i1 to i32
      %cond3A_124 = arith.constant 0 : i32
      %cond3A_125 = arith.cmpi ne, %convert_element_type3A_123, %cond3A_124 : i32
      scf.if %cond3A_125 {
        %mul3A_157 = arith.constant 128 : i32
        %mul3A_158 = arith.muli %add3A_98, %mul3A_157 : i32
        %add3A_159 = arith.addi %mul3A_2, %mul3A_158 : i32
        %dma_wait3A_160 = arith.constant 128 : i32
        %dma_wait3A_161 = arith.constant 0 : i32
        %dma_wait3A_162 = tpu.memref_slice %arg6[%dma_wait3A_160, %dma_wait3A_161] : memref<384x256xf32, #tpu.memory_space<vmem>> -> memref<128x256xf32, #tpu.memory_space<vmem>>
        %dma_wait3A_163 = arith.constant 0 : i32
        %dma_wait3A_164 = tpu.memref_slice %arg4[%add3A_159, %dma_wait3A_163] : memref<602112x256xf32, #tpu.memory_space<hbm>> -> memref<128x256xf32, #tpu.memory_space<hbm>>
        %dma_wait3A_165 = arith.constant 0 : i32
        %dma_wait3A_166 = tpu.memref_slice %arg4[%add3A_159, %dma_wait3A_165] : memref<602112x256xf32, #tpu.memory_space<hbm>> -> memref<128x256xf32, #tpu.memory_space<hbm>>
        %dma_wait3A_167 = arith.constant 128 : i32
        %dma_wait3A_168 = arith.constant 0 : i32
        %dma_wait3A_169 = tpu.memref_slice %arg6[%dma_wait3A_167, %dma_wait3A_168] : memref<384x256xf32, #tpu.memory_space<vmem>> -> memref<128x256xf32, #tpu.memory_space<vmem>>
        tpu.wait_dma2 semaphore(%arg11 : memref<!tpu.dma_semaphore, #tpu.memory_space<semaphore_mem>>) src(%dma_wait3A_169 : memref<128x256xf32, #tpu.memory_space<vmem>>) dst(%dma_wait3A_166 : memref<128x256xf32, #tpu.memory_space<hbm>>)
        %add3A_170 = arith.constant 3 : i32
        %add3A_171 = arith.addi %add3A_98, %add3A_170 : i32
        %mul3A_172 = arith.constant 128 : i32
        %mul3A_173 = arith.muli %add3A_171, %mul3A_172 : i32
        %dma_start3A_174 = arith.constant 128 : i32
        %dma_start3A_175 = arith.constant 0 : i32
        %dma_start3A_176 = tpu.memref_slice %arg6[%dma_start3A_174, %dma_start3A_175] : memref<384x256xf32, #tpu.memory_space<vmem>> -> memref<128x256xf32, #tpu.memory_space<vmem>>
        %dma_start3A_177 = tpu.memref_slice %arg5[%mul3A_173] : memref<18816xi32, #tpu.memory_space<vmem>> -> memref<128xi32, #tpu.memory_space<vmem>>
        %dma_start3A_178 = arith.constant 0 : i32
        %dma_start3A_179 = arith.constant 0 : i32
        %dma_start3A_180 = tpu.memref_slice %arg3[%dma_start3A_178, %dma_start3A_179] : memref<12544x256xf32, #tpu.memory_space<hbm>> -> memref<12544x256xf32, #tpu.memory_space<hbm>>
        tpu.enqueue_indirect_dma source(%dma_start3A_180 : memref<12544x256xf32, #tpu.memory_space<hbm>>) target(%dma_start3A_176 : memref<128x256xf32, #tpu.memory_space<vmem>>) offsets(%dma_start3A_177 : memref<128xi32, #tpu.memory_space<vmem>>) semaphore(%arg8 : memref<!tpu.dma_semaphore, #tpu.memory_space<semaphore_mem>>)
      } else {
      }
      %mul3A_126 = arith.constant 3 : i32
      %mul3A_127 = arith.muli %scan3A_66, %mul3A_126 : i32
      %add3A_128 = arith.constant 2 : i32
      %add3A_129 = arith.addi %mul3A_127, %add3A_128 : i32
      %mul3A_130 = arith.constant 128 : i32
      %mul3A_131 = arith.muli %add3A_129, %mul3A_130 : i32
      %dma_wait3A_132 = arith.constant 256 : i32
      %dma_wait3A_133 = arith.constant 0 : i32
      %dma_wait3A_134 = tpu.memref_slice %arg6[%dma_wait3A_132, %dma_wait3A_133] : memref<384x256xf32, #tpu.memory_space<vmem>> -> memref<128x256xf32, #tpu.memory_space<vmem>>
      %dma_wait3A_135 = tpu.memref_slice %arg5[%mul3A_131] : memref<18816xi32, #tpu.memory_space<vmem>> -> memref<128xi32, #tpu.memory_space<vmem>>
      %dma_wait3A_136 = arith.constant 0 : i32
      %dma_wait3A_137 = arith.constant 0 : i32
      %dma_wait3A_138 = tpu.memref_slice %arg3[%dma_wait3A_136, %dma_wait3A_137] : memref<12544x256xf32, #tpu.memory_space<hbm>> -> memref<12544x256xf32, #tpu.memory_space<hbm>>
      tpu.wait_indirect_dma semaphore(%arg9 : memref<!tpu.dma_semaphore, #tpu.memory_space<semaphore_mem>>) src(%dma_wait3A_138 : memref<12544x256xf32, #tpu.memory_space<hbm>>) dst(%dma_wait3A_134 : memref<128x256xf32, #tpu.memory_space<vmem>>)
      %mul3A_139 = arith.constant 128 : i32
      %mul3A_140 = arith.muli %add3A_129, %mul3A_139 : i32
      %add3A_141 = arith.addi %mul3A_2, %mul3A_140 : i32
      %dma_start3A_142 = arith.constant 256 : i32
      %dma_start3A_143 = arith.constant 0 : i32
      %dma_start3A_144 = tpu.memref_slice %arg6[%dma_start3A_142, %dma_start3A_143] : memref<384x256xf32, #tpu.memory_space<vmem>> -> memref<128x256xf32, #tpu.memory_space<vmem>>
      %dma_start3A_145 = arith.constant 0 : i32
      %dma_start3A_146 = tpu.memref_slice %arg4[%add3A_141, %dma_start3A_145] : memref<602112x256xf32, #tpu.memory_space<hbm>> -> memref<128x256xf32, #tpu.memory_space<hbm>>
      %dma_start3A_147 = arith.constant 0 : i32
      %dma_start3A_148 = tpu.memref_slice %arg4[%add3A_141, %dma_start3A_147] : memref<602112x256xf32, #tpu.memory_space<hbm>> -> memref<128x256xf32, #tpu.memory_space<hbm>>
      %dma_start3A_149 = arith.constant 256 : i32
      %dma_start3A_150 = arith.constant 0 : i32
      %dma_start3A_151 = tpu.memref_slice %arg6[%dma_start3A_149, %dma_start3A_150] : memref<384x256xf32, #tpu.memory_space<vmem>> -> memref<128x256xf32, #tpu.memory_space<vmem>>
      tpu.enqueue_dma source(%dma_start3A_151 : memref<128x256xf32, #tpu.memory_space<vmem>>) target(%dma_start3A_148 : memref<128x256xf32, #tpu.memory_space<hbm>>) target_semaphore(%arg12 : memref<!tpu.dma_semaphore, #tpu.memory_space<semaphore_mem>>)
      %lt3A_152 = arith.constant 48 : i32
      %lt3A_153 = arith.cmpi slt, %scan3A_66, %lt3A_152 : i32
      %convert_element_type3A_154 = arith.extui %lt3A_153 : i1 to i32
      %cond3A_155 = arith.constant 0 : i32
      %cond3A_156 = arith.cmpi ne, %convert_element_type3A_154, %cond3A_155 : i32
      scf.if %cond3A_156 {
        %mul3A_157 = arith.constant 128 : i32
        %mul3A_158 = arith.muli %add3A_129, %mul3A_157 : i32
        %add3A_159 = arith.addi %mul3A_2, %mul3A_158 : i32
        %dma_wait3A_160 = arith.constant 256 : i32
        %dma_wait3A_161 = arith.constant 0 : i32
        %dma_wait3A_162 = tpu.memref_slice %arg6[%dma_wait3A_160, %dma_wait3A_161] : memref<384x256xf32, #tpu.memory_space<vmem>> -> memref<128x256xf32, #tpu.memory_space<vmem>>
        %dma_wait3A_163 = arith.constant 0 : i32
        %dma_wait3A_164 = tpu.memref_slice %arg4[%add3A_159, %dma_wait3A_163] : memref<602112x256xf32, #tpu.memory_space<hbm>> -> memref<128x256xf32, #tpu.memory_space<hbm>>
        %dma_wait3A_165 = arith.constant 0 : i32
        %dma_wait3A_166 = tpu.memref_slice %arg4[%add3A_159, %dma_wait3A_165] : memref<602112x256xf32, #tpu.memory_space<hbm>> -> memref<128x256xf32, #tpu.memory_space<hbm>>
        %dma_wait3A_167 = arith.constant 256 : i32
        %dma_wait3A_168 = arith.constant 0 : i32
        %dma_wait3A_169 = tpu.memref_slice %arg6[%dma_wait3A_167, %dma_wait3A_168] : memref<384x256xf32, #tpu.memory_space<vmem>> -> memref<128x256xf32, #tpu.memory_space<vmem>>
        tpu.wait_dma2 semaphore(%arg12 : memref<!tpu.dma_semaphore, #tpu.memory_space<semaphore_mem>>) src(%dma_wait3A_169 : memref<128x256xf32, #tpu.memory_space<vmem>>) dst(%dma_wait3A_166 : memref<128x256xf32, #tpu.memory_space<hbm>>)
        %add3A_170 = arith.constant 3 : i32
        %add3A_171 = arith.addi %add3A_129, %add3A_170 : i32
        %mul3A_172 = arith.constant 128 : i32
        %mul3A_173 = arith.muli %add3A_171, %mul3A_172 : i32
        %dma_start3A_174 = arith.constant 256 : i32
        %dma_start3A_175 = arith.constant 0 : i32
        %dma_start3A_176 = tpu.memref_slice %arg6[%dma_start3A_174, %dma_start3A_175] : memref<384x256xf32, #tpu.memory_space<vmem>> -> memref<128x256xf32, #tpu.memory_space<vmem>>
        %dma_start3A_177 = tpu.memref_slice %arg5[%mul3A_173] : memref<18816xi32, #tpu.memory_space<vmem>> -> memref<128xi32, #tpu.memory_space<vmem>>
        %dma_start3A_178 = arith.constant 0 : i32
        %dma_start3A_179 = arith.constant 0 : i32
        %dma_start3A_180 = tpu.memref_slice %arg3[%dma_start3A_178, %dma_start3A_179] : memref<12544x256xf32, #tpu.memory_space<hbm>> -> memref<12544x256xf32, #tpu.memory_space<hbm>>
        tpu.enqueue_indirect_dma source(%dma_start3A_180 : memref<12544x256xf32, #tpu.memory_space<hbm>>) target(%dma_start3A_176 : memref<128x256xf32, #tpu.memory_space<vmem>>) offsets(%dma_start3A_177 : memref<128xi32, #tpu.memory_space<vmem>>) semaphore(%arg9 : memref<!tpu.dma_semaphore, #tpu.memory_space<semaphore_mem>>)
      } else {
      }
    }
    %scan3A_30 = arith.constant 49 : i32
    %add3A_31 = arith.constant 18432 : i32
    %add3A_32 = arith.addi %mul3A_2, %add3A_31 : i32
    %dma_wait3A = arith.constant 0 : i32
    %dma_wait3A_33 = arith.constant 0 : i32
    %dma_wait3A_34 = tpu.memref_slice %arg6[%dma_wait3A, %dma_wait3A_33] : memref<384x256xf32, #tpu.memory_space<vmem>> -> memref<128x256xf32, #tpu.memory_space<vmem>>
    %dma_wait3A_35 = arith.constant 0 : i32
    %dma_wait3A_36 = tpu.memref_slice %arg4[%add3A_32, %dma_wait3A_35] : memref<602112x256xf32, #tpu.memory_space<hbm>> -> memref<128x256xf32, #tpu.memory_space<hbm>>
    %dma_wait3A_37 = arith.constant 0 : i32
    %dma_wait3A_38 = tpu.memref_slice %arg4[%add3A_32, %dma_wait3A_37] : memref<602112x256xf32, #tpu.memory_space<hbm>> -> memref<128x256xf32, #tpu.memory_space<hbm>>
    %dma_wait3A_39 = arith.constant 0 : i32
    %dma_wait3A_40 = arith.constant 0 : i32
    %dma_wait3A_41 = tpu.memref_slice %arg6[%dma_wait3A_39, %dma_wait3A_40] : memref<384x256xf32, #tpu.memory_space<vmem>> -> memref<128x256xf32, #tpu.memory_space<vmem>>
    tpu.wait_dma2 semaphore(%arg10 : memref<!tpu.dma_semaphore, #tpu.memory_space<semaphore_mem>>) src(%dma_wait3A_41 : memref<128x256xf32, #tpu.memory_space<vmem>>) dst(%dma_wait3A_38 : memref<128x256xf32, #tpu.memory_space<hbm>>)
    %add3A_42 = arith.constant 18560 : i32
    %add3A_43 = arith.addi %mul3A_2, %add3A_42 : i32
    %dma_wait3A_44 = arith.constant 128 : i32
    %dma_wait3A_45 = arith.constant 0 : i32
    %dma_wait3A_46 = tpu.memref_slice %arg6[%dma_wait3A_44, %dma_wait3A_45] : memref<384x256xf32, #tpu.memory_space<vmem>> -> memref<128x256xf32, #tpu.memory_space<vmem>>
    %dma_wait3A_47 = arith.constant 0 : i32
    %dma_wait3A_48 = tpu.memref_slice %arg4[%add3A_43, %dma_wait3A_47] : memref<602112x256xf32, #tpu.memory_space<hbm>> -> memref<128x256xf32, #tpu.memory_space<hbm>>
    %dma_wait3A_49 = arith.constant 0 : i32
    %dma_wait3A_50 = tpu.memref_slice %arg4[%add3A_43, %dma_wait3A_49] : memref<602112x256xf32, #tpu.memory_space<hbm>> -> memref<128x256xf32, #tpu.memory_space<hbm>>
    %dma_wait3A_51 = arith.constant 128 : i32
    %dma_wait3A_52 = arith.constant 0 : i32
    %dma_wait3A_53 = tpu.memref_slice %arg6[%dma_wait3A_51, %dma_wait3A_52] : memref<384x256xf32, #tpu.memory_space<vmem>> -> memref<128x256xf32, #tpu.memory_space<vmem>>
    tpu.wait_dma2 semaphore(%arg11 : memref<!tpu.dma_semaphore, #tpu.memory_space<semaphore_mem>>) src(%dma_wait3A_53 : memref<128x256xf32, #tpu.memory_space<vmem>>) dst(%dma_wait3A_50 : memref<128x256xf32, #tpu.memory_space<hbm>>)
    %add3A_54 = arith.constant 18688 : i32
    %add3A_55 = arith.addi %mul3A_2, %add3A_54 : i32
    %dma_wait3A_56 = arith.constant 256 : i32
    %dma_wait3A_57 = arith.constant 0 : i32
    %dma_wait3A_58 = tpu.memref_slice %arg6[%dma_wait3A_56, %dma_wait3A_57] : memref<384x256xf32, #tpu.memory_space<vmem>> -> memref<128x256xf32, #tpu.memory_space<vmem>>
    %dma_wait3A_59 = arith.constant 0 : i32
    %dma_wait3A_60 = tpu.memref_slice %arg4[%add3A_55, %dma_wait3A_59] : memref<602112x256xf32, #tpu.memory_space<hbm>> -> memref<128x256xf32, #tpu.memory_space<hbm>>
    %dma_wait3A_61 = arith.constant 0 : i32
    %dma_wait3A_62 = tpu.memref_slice %arg4[%add3A_55, %dma_wait3A_61] : memref<602112x256xf32, #tpu.memory_space<hbm>> -> memref<128x256xf32, #tpu.memory_space<hbm>>
    %dma_wait3A_63 = arith.constant 256 : i32
    %dma_wait3A_64 = arith.constant 0 : i32
    %dma_wait3A_65 = tpu.memref_slice %arg6[%dma_wait3A_63, %dma_wait3A_64] : memref<384x256xf32, #tpu.memory_space<vmem>> -> memref<128x256xf32, #tpu.memory_space<vmem>>
    tpu.wait_dma2 semaphore(%arg12 : memref<!tpu.dma_semaphore, #tpu.memory_space<semaphore_mem>>) src(%dma_wait3A_65 : memref<128x256xf32, #tpu.memory_space<vmem>>) dst(%dma_wait3A_62 : memref<128x256xf32, #tpu.memory_space<hbm>>)
    return
  }
}

module attributes {stable_mosaic.version = 14 : i64} {
  func.func @_proj_body(%arg0: i32, %arg1: memref<256x192xf32, #tpu.memory_space<vmem>>, %arg2: memref<192x192xf32, #tpu.memory_space<vmem>>, %arg3: memref<1x192xf32, #tpu.memory_space<vmem>>, %arg4: memref<192x192xf32, #tpu.memory_space<vmem>>, %arg5: memref<1x192xf32, #tpu.memory_space<vmem>>, %arg6: memref<192x192xf32, #tpu.memory_space<vmem>>, %arg7: memref<1x192xf32, #tpu.memory_space<vmem>>, %arg8: memref<256x192xf32, #tpu.memory_space<vmem>>, %arg9: memref<256x256xf32, #tpu.memory_space<vmem>>) attributes {dimension_semantics = [#tpu.dimension_semantics<arbitrary>], iteration_bounds = array<i64: 49>, scalar_prefetch = 0 : i64, scratch_operands = 0 : i64, tpu.core_type = #tpu.core_type<tc>, window_params = [{transform_indices = @transform_0, window_bounds = array<i64: 256, 192>}, {pipeline_mode = #tpu.pipeline_mode<synchronous>, transform_indices = @transform_1, window_bounds = array<i64: 192, 192>}, {pipeline_mode = #tpu.pipeline_mode<synchronous>, transform_indices = @transform_2, window_bounds = array<i64: 1, 192>}, {pipeline_mode = #tpu.pipeline_mode<synchronous>, transform_indices = @transform_3, window_bounds = array<i64: 192, 192>}, {pipeline_mode = #tpu.pipeline_mode<synchronous>, transform_indices = @transform_4, window_bounds = array<i64: 1, 192>}, {pipeline_mode = #tpu.pipeline_mode<synchronous>, transform_indices = @transform_5, window_bounds = array<i64: 192, 192>}, {pipeline_mode = #tpu.pipeline_mode<synchronous>, transform_indices = @transform_6, window_bounds = array<i64: 1, 192>}, {transform_indices = @transform_7, window_bounds = array<i64: 256, 192>}, {transform_indices = @transform_8, window_bounds = array<i64: 256, 256>}]} {
    %get3A = arith.constant 0 : index
    %get3A_0 = arith.constant 0 : index
    %get3A_1 = vector.load %arg1[%get3A, %get3A_0] : memref<256x192xf32, #tpu.memory_space<vmem>>, vector<256x192xf32>
    %get3A_2 = arith.constant 0 : index
    %get3A_3 = arith.constant 0 : index
    %get3A_4 = vector.load %arg2[%get3A_2, %get3A_3] : memref<192x192xf32, #tpu.memory_space<vmem>>, vector<192x192xf32>
    %dot_general3A = arith.constant dense<0.000000e+00> : vector<256x192xf32>
    %dot_general3A_5 = tpu.matmul %get3A_1, %get3A_4, %dot_general3A {dimension_numbers = #tpu.dot_dimension_numbers<[1], [0], [0], [1], [0, 0, 1, 1], [], []>, transpose_lhs_hint = false} : vector<256x192xf32>, vector<192x192xf32>, vector<256x192xf32> -> vector<256x192xf32>
    %get3A_6 = arith.constant 0 : index
    %get3A_7 = arith.constant 0 : index
    %get3A_8 = vector.load %arg3[%get3A_6, %get3A_7] : memref<1x192xf32, #tpu.memory_space<vmem>>, vector<1x192xf32>
    %add3A = vector.broadcast %get3A_8 : vector<1x192xf32> to vector<256x192xf32>
    %add3A_9 = arith.addf %dot_general3A_5, %add3A : vector<256x192xf32>
    %swap3A = arith.constant 0 : index
    %swap3A_10 = arith.constant 0 : index
    %swap3A_11 = vector.load %arg8[%swap3A, %swap3A_10] : memref<256x192xf32, #tpu.memory_space<vmem>>, vector<256x192xf32>
    tpu.vector_store %arg8[%swap3A, %swap3A_10], %add3A_9 {strides = array<i32>} : memref<256x192xf32, #tpu.memory_space<vmem>>, vector<256x192xf32>,
    %get3A_12 = arith.constant 0 : index
    %get3A_13 = arith.constant 0 : index
    %get3A_14 = vector.load %arg4[%get3A_12, %get3A_13] : memref<192x192xf32, #tpu.memory_space<vmem>>, vector<192x192xf32>
    %dot_general3A_15 = arith.constant dense<0.000000e+00> : vector<256x192xf32>
    %dot_general3A_16 = tpu.matmul %get3A_1, %get3A_14, %dot_general3A_15 {dimension_numbers = #tpu.dot_dimension_numbers<[1], [0], [0], [1], [0, 0, 1, 1], [], []>, transpose_lhs_hint = false} : vector<256x192xf32>, vector<192x192xf32>, vector<256x192xf32> -> vector<256x192xf32>
    %get3A_17 = arith.constant 0 : index
    %get3A_18 = arith.constant 0 : index
    %get3A_19 = vector.load %arg5[%get3A_17, %get3A_18] : memref<1x192xf32, #tpu.memory_space<vmem>>, vector<1x192xf32>
    %add3A_20 = vector.broadcast %get3A_19 : vector<1x192xf32> to vector<256x192xf32>
    %add3A_21 = arith.addf %dot_general3A_16, %add3A_20 : vector<256x192xf32>
    %get3A_22 = arith.constant 0 : index
    %get3A_23 = arith.constant 0 : index
    %get3A_24 = vector.load %arg6[%get3A_22, %get3A_23] : memref<192x192xf32, #tpu.memory_space<vmem>>, vector<192x192xf32>
    %dot_general3A_25 = arith.constant dense<0.000000e+00> : vector<256x192xf32>
    %dot_general3A_26 = tpu.matmul %get3A_1, %get3A_24, %dot_general3A_25 {dimension_numbers = #tpu.dot_dimension_numbers<[1], [0], [0], [1], [0, 0, 1, 1], [], []>, transpose_lhs_hint = false} : vector<256x192xf32>, vector<192x192xf32>, vector<256x192xf32> -> vector<256x192xf32>
    %get3A_27 = arith.constant 0 : index
    %get3A_28 = arith.constant 0 : index
    %get3A_29 = vector.load %arg7[%get3A_27, %get3A_28] : memref<1x192xf32, #tpu.memory_space<vmem>>, vector<1x192xf32>
    %add3A_30 = vector.broadcast %get3A_29 : vector<1x192xf32> to vector<256x192xf32>
    %add3A_31 = arith.addf %dot_general3A_26, %add3A_30 : vector<256x192xf32>
    %convert_element_type3A = arith.truncf %add3A_21 : vector<256x192xf32> to vector<256x192xbf16>
    %bitcast_convert_type3A = tpu.bitcast %convert_element_type3A : vector<256x192xbf16> -> vector<256x192xi16>
    %convert_element_type3A_32 = arith.extui %bitcast_convert_type3A : vector<256x192xi16> to vector<256x192xi32>
    %convert_element_type3A_33 = arith.truncf %add3A_31 : vector<256x192xf32> to vector<256x192xbf16>
    %bitcast_convert_type3A_34 = tpu.bitcast %convert_element_type3A_33 : vector<256x192xbf16> -> vector<256x192xi16>
    %convert_element_type3A_35 = arith.extui %bitcast_convert_type3A_34 : vector<256x192xi16> to vector<256x192xi32>
    %shift_left3A = arith.constant 16 : i32
    %shift_left3A_36 = vector.broadcast %shift_left3A : i32 to vector<256x192xi32>
    %shift_left3A_37 = arith.shli %convert_element_type3A_32, %shift_left3A_36 : vector<256x192xi32>
    %or3A = arith.ori %shift_left3A_37, %convert_element_type3A_35 : vector<256x192xi32>
    %bitcast_convert_type3A_38 = tpu.bitcast %or3A : vector<256x192xi32> -> vector<256x192xf32>
    %broadcast_in_dim3A = arith.constant 0.000000e+00 : f32
    %broadcast_in_dim3A_39 = vector.broadcast %broadcast_in_dim3A : f32 to vector<256x64xf32>
    %concatenate3A = tpu.concatenate %bitcast_convert_type3A_38, %broadcast_in_dim3A_39 in 1 : vector<256x192xf32>, vector<256x64xf32> -> vector<256x256xf32>
    %swap3A_40 = arith.constant 0 : index
    %swap3A_41 = arith.constant 0 : index
    %swap3A_42 = vector.load %arg9[%swap3A_40, %swap3A_41] : memref<256x256xf32, #tpu.memory_space<vmem>>, vector<256x256xf32>
    tpu.vector_store %arg9[%swap3A_40, %swap3A_41], %concatenate3A {strides = array<i32>} : memref<256x256xf32, #tpu.memory_space<vmem>>, vector<256x256xf32>,
    return
  }
  func.func @transform_0(%arg0: i32) -> (i32, i32) {
    %c0_i32 = arith.constant 0 : i32
    %c0_i32_0 = arith.constant 0 : i32
    return %arg0, %c0_i32 : i32, i32
  }
  func.func @transform_1(%arg0: i32) -> (i32, i32) {
    %c0_i32 = arith.constant 0 : i32
    %c0_i32_0 = arith.constant 0 : i32
    %c0_i32_1 = arith.constant 0 : i32
    return %c0_i32, %c0_i32_0 : i32, i32
  }
  func.func @transform_2(%arg0: i32) -> (i32, i32) {
    %c0_i32 = arith.constant 0 : i32
    %c0_i32_0 = arith.constant 0 : i32
    %c0_i32_1 = arith.constant 0 : i32
    return %c0_i32, %c0_i32_0 : i32, i32
  }
  func.func @transform_3(%arg0: i32) -> (i32, i32) {
    %c0_i32 = arith.constant 0 : i32
    %c0_i32_0 = arith.constant 0 : i32
    %c0_i32_1 = arith.constant 0 : i32
    return %c0_i32, %c0_i32_0 : i32, i32
  }
  func.func @transform_4(%arg0: i32) -> (i32, i32) {
    %c0_i32 = arith.constant 0 : i32
    %c0_i32_0 = arith.constant 0 : i32
    %c0_i32_1 = arith.constant 0 : i32
    return %c0_i32, %c0_i32_0 : i32, i32
  }
  func.func @transform_5(%arg0: i32) -> (i32, i32) {
    %c0_i32 = arith.constant 0 : i32
    %c0_i32_0 = arith.constant 0 : i32
    %c0_i32_1 = arith.constant 0 : i32
    return %c0_i32, %c0_i32_0 : i32, i32
  }
  func.func @transform_6(%arg0: i32) -> (i32, i32) {
    %c0_i32 = arith.constant 0 : i32
    %c0_i32_0 = arith.constant 0 : i32
    %c0_i32_1 = arith.constant 0 : i32
    return %c0_i32, %c0_i32_0 : i32, i32
  }
  func.func @transform_7(%arg0: i32) -> (i32, i32) {
    %c0_i32 = arith.constant 0 : i32
    %c0_i32_0 = arith.constant 0 : i32
    return %arg0, %c0_i32 : i32, i32
  }
  func.func @transform_8(%arg0: i32) -> (i32, i32) {
    %c0_i32 = arith.constant 0 : i32
    %c0_i32_0 = arith.constant 0 : i32
    return %arg0, %c0_i32 : i32, i32
  }
}

module attributes {stable_mosaic.version = 14 : i64} {
  func.func @_attn_body(%arg0: i32, %arg1: memref<128x192xf32, #tpu.memory_space<vmem>>, %arg2: memref<6144x256xf32, #tpu.memory_space<vmem>>, %arg3: memref<6144x8xf32, #tpu.memory_space<vmem>>, %arg4: memref<128x48xf32, #tpu.memory_space<vmem>>, %arg5: memref<1x1xf32, #tpu.memory_space<smem>>, %arg6: memref<192x8xf32, #tpu.memory_space<vmem>>, %arg7: memref<8x192xf32, #tpu.memory_space<vmem>>, %arg8: memref<8x8xf32, #tpu.memory_space<vmem>>, %arg9: memref<1x8xf32, #tpu.memory_space<vmem>>, %arg10: memref<1x192xf32, #tpu.memory_space<vmem>>, %arg11: memref<1x192xf32, #tpu.memory_space<vmem>>, %arg12: memref<192x192xf32, #tpu.memory_space<vmem>>, %arg13: memref<1x192xf32, #tpu.memory_space<vmem>>, %arg14: memref<128x192xf32, #tpu.memory_space<vmem>>) attributes {dimension_semantics = [#tpu.dimension_semantics<arbitrary>], iteration_bounds = array<i64: 98>, scalar_prefetch = 0 : i64, scratch_operands = 0 : i64, tpu.core_type = #tpu.core_type<tc>, window_params = [{transform_indices = @transform_0, window_bounds = array<i64: 128, 192>}, {transform_indices = @transform_1, window_bounds = array<i64: 6144, 256>}, {transform_indices = @transform_2, window_bounds = array<i64: 6144, 8>}, {transform_indices = @transform_3, window_bounds = array<i64: 128, 48>}, {transform_indices = @transform_4, window_bounds = array<i64: 1, 1>}, {pipeline_mode = #tpu.pipeline_mode<synchronous>, transform_indices = @transform_5, window_bounds = array<i64: 192, 8>}, {pipeline_mode = #tpu.pipeline_mode<synchronous>, transform_indices = @transform_6, window_bounds = array<i64: 8, 192>}, {pipeline_mode = #tpu.pipeline_mode<synchronous>, transform_indices = @transform_7, window_bounds = array<i64: 8, 8>}, {pipeline_mode = #tpu.pipeline_mode<synchronous>, transform_indices = @transform_8, window_bounds = array<i64: 1, 8>}, {pipeline_mode = #tpu.pipeline_mode<synchronous>, transform_indices = @transform_9, window_bounds = array<i64: 1, 192>}, {pipeline_mode = #tpu.pipeline_mode<synchronous>, transform_indices = @transform_10, window_bounds = array<i64: 1, 192>}, {pipeline_mode = #tpu.pipeline_mode<synchronous>, transform_indices = @transform_11, window_bounds = array<i64: 192, 192>}, {pipeline_mode = #tpu.pipeline_mode<synchronous>, transform_indices = @transform_12, window_bounds = array<i64: 1, 192>}, {transform_indices = @transform_13, window_bounds = array<i64: 128, 192>}]} {
    %get3A = arith.constant 0 : index
    %get3A_0 = arith.constant 0 : index
    %get3A_1 = vector.load %arg1[%get3A, %get3A_0] : memref<128x192xf32, #tpu.memory_space<vmem>>, vector<128x192xf32>
    %get3A_2 = arith.constant 0 : index
    %get3A_3 = arith.constant 0 : index
    %get3A_4 = vector.load %arg6[%get3A_2, %get3A_3] : memref<192x8xf32, #tpu.memory_space<vmem>>, vector<192x8xf32>
    %get3A_5 = arith.constant 0 : index
    %get3A_6 = arith.constant 0 : index
    %get3A_7 = vector.load %arg2[%get3A_5, %get3A_6] : memref<6144x256xf32, #tpu.memory_space<vmem>>, vector<6144x256xf32>
    %slice3A = vector.extract_strided_slice %get3A_7 {offsets = [0, 0], sizes = [6144, 192], strides = [1, 1]} : vector<6144x256xf32> to vector<6144x192xf32>
    %bitcast_convert_type3A = tpu.bitcast %slice3A : vector<6144x192xf32> -> vector<6144x192xi32>
    %and3A = arith.constant -65536 : i32
    %and3A_8 = vector.broadcast %and3A : i32 to vector<6144x192xi32>
    %and3A_9 = arith.andi %bitcast_convert_type3A, %and3A_8 : vector<6144x192xi32>
    %bitcast_convert_type3A_10 = tpu.bitcast %and3A_9 : vector<6144x192xi32> -> vector<6144x192xf32>
    %shift_left3A = arith.constant 16 : i32
    %shift_left3A_11 = vector.broadcast %shift_left3A : i32 to vector<6144x192xi32>
    %shift_left3A_12 = arith.shli %bitcast_convert_type3A, %shift_left3A_11 : vector<6144x192xi32>
    %bitcast_convert_type3A_13 = tpu.bitcast %shift_left3A_12 : vector<6144x192xi32> -> vector<6144x192xf32>
    %broadcast_in_dim3A = vector.shape_cast %get3A_1 : vector<128x192xf32> to vector<128x1x192xf32>
    %broadcast_in_dim3A_14 = vector.shape_cast %broadcast_in_dim3A : vector<128x1x192xf32> to vector<128x1x192xf32>
    %broadcast_in_dim3A_15 = vector.broadcast %broadcast_in_dim3A_14 : vector<128x1x192xf32> to vector<128x48x192xf32>
    %reshape3A = vector.shape_cast %broadcast_in_dim3A_15 : vector<128x48x192xf32> to vector<6144x192xf32>
    %mul3A = arith.mulf %reshape3A, %bitcast_convert_type3A_10 : vector<6144x192xf32>
    %dot_general3A = arith.constant dense<0.000000e+00> : vector<6144x8xf32>
    %dot_general3A_16 = tpu.matmul %mul3A, %get3A_4, %dot_general3A {dimension_numbers = #tpu.dot_dimension_numbers<[1], [0], [0], [1], [0, 0, 1, 1], [], []>, transpose_lhs_hint = false} : vector<6144x192xf32>, vector<192x8xf32>, vector<6144x8xf32> -> vector<6144x8xf32>
    %get3A_17 = arith.constant 0 : index
    %get3A_18 = arith.constant 0 : index
    %get3A_19 = vector.load %arg3[%get3A_17, %get3A_18] : memref<6144x8xf32, #tpu.memory_space<vmem>>, vector<6144x8xf32>
    %get3A_20 = arith.constant 0 : index
    %get3A_21 = arith.constant 0 : index
    %get3A_22 = vector.load %arg8[%get3A_20, %get3A_21] : memref<8x8xf32, #tpu.memory_space<vmem>>, vector<8x8xf32>
    %dot_general3A_23 = arith.constant dense<0.000000e+00> : vector<6144x8xf32>
    %dot_general3A_24 = tpu.matmul %get3A_19, %get3A_22, %dot_general3A_23 {dimension_numbers = #tpu.dot_dimension_numbers<[1], [0], [0], [1], [0, 0, 1, 1], [], []>, transpose_lhs_hint = false} : vector<6144x8xf32>, vector<8x8xf32>, vector<6144x8xf32> -> vector<6144x8xf32>
    %get3A_25 = arith.constant 0 : index
    %get3A_26 = arith.constant 0 : index
    %get3A_27 = vector.load %arg9[%get3A_25, %get3A_26] : memref<1x8xf32, #tpu.memory_space<vmem>>, vector<1x8xf32>
    %add3A = vector.broadcast %get3A_27 : vector<1x8xf32> to vector<6144x8xf32>
    %add3A_28 = arith.addf %dot_general3A_24, %add3A : vector<6144x8xf32>
    %get3A_29 = arith.constant 0 : index
    %get3A_30 = arith.constant 0 : index
    %get3A_31 = memref.load %arg5[%get3A_29, %get3A_30] : memref<1x1xf32, #tpu.memory_space<smem>>
    %reshape3A_32 = vector.shape_cast %dot_general3A_16 : vector<6144x8xf32> to vector<128x48x8xf32>
    %reshape3A_33 = vector.shape_cast %add3A_28 : vector<6144x8xf32> to vector<128x48x8xf32>
    %add3A_34 = arith.addf %reshape3A_32, %reshape3A_33 : vector<128x48x8xf32>
    %get3A_35 = arith.constant 0 : index
    %get3A_36 = arith.constant 0 : index
    %get3A_37 = vector.load %arg4[%get3A_35, %get3A_36] : memref<128x48xf32, #tpu.memory_space<vmem>>, vector<128x48xf32>
    %sub3A = arith.constant 1.000000e+00 : f32
    %sub3A_38 = vector.broadcast %sub3A : f32 to vector<128x48xf32>
    %sub3A_39 = arith.subf %sub3A_38, %get3A_37 : vector<128x48xf32>
    %mul3A_40 = arith.constant -1.000000e+02 : f32
    %mul3A_41 = vector.broadcast %mul3A_40 : f32 to vector<128x48xf32>
    %mul3A_42 = arith.mulf %sub3A_39, %mul3A_41 : vector<128x48xf32>
    %mul3A_43 = vector.broadcast %get3A_31 : f32 to vector<128x48xf32>
    %mul3A_44 = arith.mulf %mul3A_42, %mul3A_43 : vector<128x48xf32>
    %broadcast_in_dim3A_45 = vector.shape_cast %mul3A_44 : vector<128x48xf32> to vector<128x48x1xf32>
    %add3A_46 = vector.broadcast %broadcast_in_dim3A_45 : vector<128x48x1xf32> to vector<128x48x8xf32>
    %add3A_47 = arith.addf %add3A_34, %add3A_46 : vector<128x48x8xf32>
    %get3A_48 = arith.constant 0 : index
    %get3A_49 = arith.constant 0 : index
    %get3A_50 = vector.load %arg10[%get3A_48, %get3A_49] : memref<1x192xf32, #tpu.memory_space<vmem>>, vector<1x192xf32>
    %mul3A_51 = vector.broadcast %get3A_50 : vector<1x192xf32> to vector<128x192xf32>
    %mul3A_52 = arith.mulf %get3A_1, %mul3A_51 : vector<128x192xf32>
    %dot_general3A_53 = arith.constant dense<0.000000e+00> : vector<128x8xf32>
    %dot_general3A_54 = tpu.matmul %mul3A_52, %get3A_4, %dot_general3A_53 {dimension_numbers = #tpu.dot_dimension_numbers<[1], [0], [0], [1], [0, 0, 1, 1], [], []>, transpose_lhs_hint = false} : vector<128x192xf32>, vector<192x8xf32>, vector<128x8xf32> -> vector<128x8xf32>
    %jit3A = arith.constant -5.000000e+00 : f32
    %jit3A_55 = arith.constant 5.000000e+00 : f32
    %max3A = vector.broadcast %jit3A : f32 to vector<128x8xf32>
    %max3A_56 = arith.maximumf %max3A, %dot_general3A_54 : vector<128x8xf32>
    %min3A = vector.broadcast %jit3A_55 : f32 to vector<128x8xf32>
    %min3A_57 = arith.minimumf %min3A, %max3A_56 : vector<128x8xf32>
    %reduce_max3A = arith.constant dense<0xFF800000> : vector<128x8xf32>
    %reduce_max3A_58 = vector.multi_reduction <maximumf>, %add3A_47, %reduce_max3A [1] : vector<128x48x8xf32> to vector<128x8xf32>
    %max3A_59 = arith.maximumf %reduce_max3A_58, %min3A_57 : vector<128x8xf32>
    %broadcast_in_dim3A_60 = vector.shape_cast %max3A_59 : vector<128x8xf32> to vector<128x1x8xf32>
    %sub3A_61 = vector.broadcast %broadcast_in_dim3A_60 : vector<128x1x8xf32> to vector<128x48x8xf32>
    %sub3A_62 = arith.subf %add3A_47, %sub3A_61 : vector<128x48x8xf32>
    %exp3A = math.exp %sub3A_62 : vector<128x48x8xf32>
    %sub3A_63 = arith.subf %min3A_57, %max3A_59 : vector<128x8xf32>
    %exp3A_64 = math.exp %sub3A_63 : vector<128x8xf32>
    %reduce_sum3A = arith.constant dense<0.000000e+00> : vector<128x8xf32>
    %reduce_sum3A_65 = vector.multi_reduction <add>, %exp3A, %reduce_sum3A [1] : vector<128x48x8xf32> to vector<128x8xf32>
    %add3A_66 = arith.addf %reduce_sum3A_65, %exp3A_64 : vector<128x8xf32>
    %broadcast_in_dim3A_67 = vector.shape_cast %add3A_66 : vector<128x8xf32> to vector<128x1x8xf32>
    %div3A = vector.broadcast %broadcast_in_dim3A_67 : vector<128x1x8xf32> to vector<128x48x8xf32>
    %div3A_68 = arith.divf %exp3A, %div3A : vector<128x48x8xf32>
    %reshape3A_69 = vector.shape_cast %div3A_68 : vector<128x48x8xf32> to vector<6144x8xf32>
    %get3A_70 = arith.constant 0 : index
    %get3A_71 = arith.constant 0 : index
    %get3A_72 = vector.load %arg7[%get3A_70, %get3A_71] : memref<8x192xf32, #tpu.memory_space<vmem>>, vector<8x192xf32>
    %dot_general3A_73 = arith.constant dense<0.000000e+00> : vector<6144x192xf32>
    %dot_general3A_74 = tpu.matmul %reshape3A_69, %get3A_72, %dot_general3A_73 {dimension_numbers = #tpu.dot_dimension_numbers<[1], [0], [0], [1], [0, 0, 1, 1], [], []>, transpose_lhs_hint = false} : vector<6144x8xf32>, vector<8x192xf32>, vector<6144x192xf32> -> vector<6144x192xf32>
    %mul3A_75 = arith.mulf %dot_general3A_74, %bitcast_convert_type3A_13 : vector<6144x192xf32>
    %reshape3A_76 = vector.shape_cast %mul3A_75 : vector<6144x192xf32> to vector<128x48x192xf32>
    %reduce_sum3A_77 = arith.constant dense<0.000000e+00> : vector<128x192xf32>
    %reduce_sum3A_78 = vector.multi_reduction <add>, %reshape3A_76, %reduce_sum3A_77 [1] : vector<128x48x192xf32> to vector<128x192xf32>
    %div3A_79 = arith.divf %exp3A_64, %add3A_66 : vector<128x8xf32>
    %get3A_80 = arith.constant 0 : index
    %get3A_81 = arith.constant 0 : index
    %get3A_82 = vector.load %arg7[%get3A_80, %get3A_81] : memref<8x192xf32, #tpu.memory_space<vmem>>, vector<8x192xf32>
    %dot_general3A_83 = arith.constant dense<0.000000e+00> : vector<128x192xf32>
    %dot_general3A_84 = tpu.matmul %div3A_79, %get3A_82, %dot_general3A_83 {dimension_numbers = #tpu.dot_dimension_numbers<[1], [0], [0], [1], [0, 0, 1, 1], [], []>, transpose_lhs_hint = false} : vector<128x8xf32>, vector<8x192xf32>, vector<128x192xf32> -> vector<128x192xf32>
    %get3A_85 = arith.constant 0 : index
    %get3A_86 = arith.constant 0 : index
    %get3A_87 = vector.load %arg11[%get3A_85, %get3A_86] : memref<1x192xf32, #tpu.memory_space<vmem>>, vector<1x192xf32>
    %mul3A_88 = vector.broadcast %get3A_87 : vector<1x192xf32> to vector<128x192xf32>
    %mul3A_89 = arith.mulf %dot_general3A_84, %mul3A_88 : vector<128x192xf32>
    %add3A_90 = arith.addf %reduce_sum3A_78, %mul3A_89 : vector<128x192xf32>
    %get3A_91 = arith.constant 0 : index
    %get3A_92 = arith.constant 0 : index
    %get3A_93 = vector.load %arg12[%get3A_91, %get3A_92] : memref<192x192xf32, #tpu.memory_space<vmem>>, vector<192x192xf32>
    %dot_general3A_94 = arith.constant dense<0.000000e+00> : vector<128x192xf32>
    %dot_general3A_95 = tpu.matmul %add3A_90, %get3A_93, %dot_general3A_94 {dimension_numbers = #tpu.dot_dimension_numbers<[1], [0], [0], [1], [0, 0, 1, 1], [], []>, transpose_lhs_hint = false} : vector<128x192xf32>, vector<192x192xf32>, vector<128x192xf32> -> vector<128x192xf32>
    %get3A_96 = arith.constant 0 : index
    %get3A_97 = arith.constant 0 : index
    %get3A_98 = vector.load %arg13[%get3A_96, %get3A_97] : memref<1x192xf32, #tpu.memory_space<vmem>>, vector<1x192xf32>
    %add3A_99 = vector.broadcast %get3A_98 : vector<1x192xf32> to vector<128x192xf32>
    %add3A_100 = arith.addf %dot_general3A_95, %add3A_99 : vector<128x192xf32>
    %swap3A = arith.constant 0 : index
    %swap3A_101 = arith.constant 0 : index
    %swap3A_102 = vector.load %arg14[%swap3A, %swap3A_101] : memref<128x192xf32, #tpu.memory_space<vmem>>, vector<128x192xf32>
    tpu.vector_store %arg14[%swap3A, %swap3A_101], %add3A_100 {strides = array<i32>} : memref<128x192xf32, #tpu.memory_space<vmem>>, vector<128x192xf32>,
    return
  }
  func.func @transform_0(%arg0: i32) -> (i32, i32) {
    %c0_i32 = arith.constant 0 : i32
    %c0_i32_0 = arith.constant 0 : i32
    return %arg0, %c0_i32 : i32, i32
  }
  func.func @transform_1(%arg0: i32) -> (i32, i32) {
    %c0_i32 = arith.constant 0 : i32
    %c0_i32_0 = arith.constant 0 : i32
    return %arg0, %c0_i32 : i32, i32
  }
  func.func @transform_2(%arg0: i32) -> (i32, i32) {
    %c0_i32 = arith.constant 0 : i32
    %c0_i32_0 = arith.constant 0 : i32
    return %arg0, %c0_i32 : i32, i32
  }
  func.func @transform_3(%arg0: i32) -> (i32, i32) {
    %c0_i32 = arith.constant 0 : i32
    %c0_i32_0 = arith.constant 0 : i32
    return %arg0, %c0_i32 : i32, i32
  }
  func.func @transform_4(%arg0: i32) -> (i32, i32) {
    %c0_i32 = arith.constant 0 : i32
    %c0_i32_0 = arith.constant 0 : i32
    %c0_i32_1 = arith.constant 0 : i32
    return %c0_i32, %c0_i32_0 : i32, i32
  }
  func.func @transform_5(%arg0: i32) -> (i32, i32) {
    %c0_i32 = arith.constant 0 : i32
    %c0_i32_0 = arith.constant 0 : i32
    %c0_i32_1 = arith.constant 0 : i32
    return %c0_i32, %c0_i32_0 : i32, i32
  }
  func.func @transform_6(%arg0: i32) -> (i32, i32) {
    %c0_i32 = arith.constant 0 : i32
    %c0_i32_0 = arith.constant 0 : i32
    %c0_i32_1 = arith.constant 0 : i32
    return %c0_i32, %c0_i32_0 : i32, i32
  }
  func.func @transform_7(%arg0: i32) -> (i32, i32) {
    %c0_i32 = arith.constant 0 : i32
    %c0_i32_0 = arith.constant 0 : i32
    %c0_i32_1 = arith.constant 0 : i32
    return %c0_i32, %c0_i32_0 : i32, i32
  }
  func.func @transform_8(%arg0: i32) -> (i32, i32) {
    %c0_i32 = arith.constant 0 : i32
    %c0_i32_0 = arith.constant 0 : i32
    %c0_i32_1 = arith.constant 0 : i32
    return %c0_i32, %c0_i32_0 : i32, i32
  }
  func.func @transform_9(%arg0: i32) -> (i32, i32) {
    %c0_i32 = arith.constant 0 : i32
    %c0_i32_0 = arith.constant 0 : i32
    %c0_i32_1 = arith.constant 0 : i32
    return %c0_i32, %c0_i32_0 : i32, i32
  }
  func.func @transform_10(%arg0: i32) -> (i32, i32) {
    %c0_i32 = arith.constant 0 : i32
    %c0_i32_0 = arith.constant 0 : i32
    %c0_i32_1 = arith.constant 0 : i32
    return %c0_i32, %c0_i32_0 : i32, i32
  }
  func.func @transform_11(%arg0: i32) -> (i32, i32) {
    %c0_i32 = arith.constant 0 : i32
    %c0_i32_0 = arith.constant 0 : i32
    %c0_i32_1 = arith.constant 0 : i32
    return %c0_i32, %c0_i32_0 : i32, i32
  }
  func.func @transform_12(%arg0: i32) -> (i32, i32) {
    %c0_i32 = arith.constant 0 : i32
    %c0_i32_0 = arith.constant 0 : i32
    %c0_i32_1 = arith.constant 0 : i32
    return %c0_i32, %c0_i32_0 : i32, i32
  }
  func.func @transform_13(%arg0: i32) -> (i32, i32) {
    %c0_i32 = arith.constant 0 : i32
    %c0_i32_0 = arith.constant 0 : i32
    return %arg0, %c0_i32 : i32, i32
  }
}

</mosaic_0001>

<sc_bundles>
// kernel: kernel.6.cloned.1.call-start
scs
__scs_entry_jumppad:
0x0: {  	(pc) =	sbr.rel $0x88, $3  }
0x1: {  	(tag) =	ssettag $0x0;
	lr =	simm.s32 $0x1  }
0x2: {  	[smem:$0x3F91] =	sst lr;
	_ =	strace $0xD0000000  }
0x3: {  	_ = 	snop  }
0x4: {  	_ = 	snop  }
0x5: {  	_ = 	snop  }
0x6: {  	_ = 	snop  }
0x7: {  	_ = 	snop  }
__scs_overlays_trampoline_lowered:
0x8: {  	[smem:$0x3FA0] =	sst s0  }
0x9: {  	[smem:$0x3FA1] =	sst s1  }
0xa: {  	[smem:$0x3FA2] =	sst s2  }
0xb: {  	[smem:$0x3FA3] =	sst s3  }
0xc: {  	[smem:$0x3FA4] =	sst s4  }
0xd: {  	[smem:$0x3FA5] =	sst s5  }
0xe: {  	[smem:$0x3FA6] =	sst s6  }
0xf: {  	[smem:$0x3FA7] =	sst s7  }
0x10: {  	[smem:$0x3FA8] =	sst s8  }
0x11: {  	[smem:$0x3FA9] =	sst s9;
	s0 =	simm.s32 @!p0 $0x0  }
0x12: {  	s1 =	sld [smem:$0x3F8F];
	s0 =	simm.s32 @p0 $0x1  }
0x13: {  	[smem:$0x3FAA] =	sst s0;
	s0 =	simm.s32 @!p1 $0x0  }
0x14: {  	s2 =	sld [smem:$0x3F8E];
	s0 =	simm.s32 @p1 $0x1  }
0x15: {  	[smem:$0x3FAB] =	sst s0;
	s0 =	simm.s32 @!p2 $0x0  }
0x16: {  	s3 =	sld [smem:$0x3FDB];
	s0 =	simm.s32 @p2 $0x1  }
0x17: {  	s4 =	simm.s32 $0x1BF5;
	[smem:$0x3FAD] =	sst s0  }
0x18: {  	s0 =	sld [smem:$0x3F90];
	_ =	swait.ge [sflag:s4], $0x0  }
0x19: {  	s7 =	sld [smem:$0x3F91]  }
0x1a: {  	s8 =	sadd.s32 $0xFFFFE003, lr  }
0x1b: {  	s9 =	sadd.s32 $0xFFFFFEF7, lr;
	s5 =	simm.s32 $0xFFFFFFFF;
	p2 =	slt.u32 s8, $0xFFFFF086  }
0x1c: {  	p1 =	slt.u32 s9, $0xF7A;
	s5 =	simm.s32 @!p2 $0x0  }
0x1d: {  	s5 =	simm.s32 @p1 $0x1;
	p0 =	seq.s32 s7, s2  }
0x1e: {  	s7 =	smul.u32 @!p0 $0xF7A, s2;
	p2 =	seq.s32 @!p0 s5, $0x0  }
0x1f: {  	s9 =	smul.u32 $0xF7A, s1;
	s8 =	simm.s32 @!p0 $0x1BF5;
	p2 =	por !p2, p0  }
0x20: {  	[sflag:s8] =	ssyncset.s32 @!p0 $0xFFFFF086;
	s6 =	sadd.s32 @!p0 s3, s7;
	s7 =	simm.s32 @!p0 $0x108  }
0x21: {  	s3 =	sadd.s32 s3, s9;
	s6 =	sadd.s32 @!p0 $0x88, s6;
	s7 =	simm.s32 @p2 $0x1082  }
0x22: {  	[simem:s7], [sflag:s8] =	dma.local @!p0 [hbm:s6], $0xF7A  }
0x23: {  	s9 =	sor.u32 $0xD0000000, s2;
	s6 =	simm.s32 $0x108;
	_ =	swait.ge @!p0 [sflag:s8], $0x0  }
0x24: {  	s3 =	sadd.s32 $0x88, s3;
	s6 =	simm.s32 @!p1 $0x1082;
	[sflag:s4] =	ssyncset.s32 $0xFFFFF086  }
0x25: {  	[simem:s6], [sflag:s4] =	dma.local [hbm:s3], $0xF7A  }
0x26: {  	[smem:$0x3F91] =	sst s1;
	(tag) =	ssettag s2;
	_ =	strace s9  }
0x27: {  	s1 =	sld [smem:$0x3FA1]  }
0x28: {  	s2 =	sld [smem:$0x3FA2]  }
0x29: {  	s4 =	sld [smem:$0x3FA4]  }
0x2a: {  	p0 =	seq.s32 s5, $0x0;
	s5 =	sld [smem:$0x3FA5]  }
0x2b: {  	s6 =	sld [smem:$0x3FA6]  }
0x2c: {  	s7 =	sld [smem:$0x3FA7]  }
0x2d: {  	s3 =	simm.s32 $0x108;
	s8 =	sld [smem:$0x3FA8]  }
0x2e: {  	s3 =	simm.s32 @!p0 $0x1082;
	s9 =	sld [smem:$0x3FA9]  }
0x2f: {  	lr =	sadd.s32 s0, s3;
	s0 =	sld [smem:$0x3FA0]  }
0x30: {  	s3 =	sld [smem:$0x3FA3]  }
0x31: {  	[smem:$0x3FAC] =	sst s10  }
0x32: {  	s10 =	sld [smem:$0x3FAA];
	_ =	sdelay $0x3  }
0x33: {  	p0 =	seq.s32 s10, $0x1;
	s10 =	sld [smem:$0x3FAC];
	_ =	sdelay $0x3  }
0x34: {  	[smem:$0x3FAC] =	sst s10  }
0x35: {  	s10 =	sld [smem:$0x3FAB];
	_ =	sdelay $0x3  }
0x36: {  	p1 =	seq.s32 s10, $0x1;
	s10 =	sld [smem:$0x3FAC];
	_ =	sdelay $0x3  }
0x37: {  	[smem:$0x3FAC] =	sst s10  }
0x38: {  	s10 =	sld [smem:$0x3FAD]  }
0x39: {  	_ = 	snop;
	(pc) =	sbr.ind lr, $3  }
0x3a: {  	_ = 	snop  }
0x3b: {  	_ = 	snop  }
0x3c: {  	p2 =	seq.s32 s10, $0x1;
	s10 =	sld [smem:$0x3FAC]  }
0x3d: {  	_ =	shalt  }
0x3e: {  	_ =	shalt  }
0x3f: {  	_ =	shalt  }
0x40: {  	_ =	shalt  }
0x41: {  	_ =	shalt  }
0x42: {  	_ =	shalt  }
0x43: {  	_ =	shalt  }
0x44: {  	_ =	shalt  }
0x45: {  	_ =	shalt  }
0x46: {  	_ =	shalt  }
0x47: {  	_ =	shalt  }
0x48: {  	_ =	shalt  }
0x49: {  	_ =	shalt  }
0x4a: {  	_ =	shalt  }
0x4b: {  	_ =	shalt  }
0x4c: {  	_ =	shalt  }
0x4d: {  	_ =	shalt  }
0x4e: {  	_ =	shalt  }
0x4f: {  	_ =	shalt  }
0x50: {  	_ =	shalt  }
0x51: {  	_ =	shalt  }
0x52: {  	_ =	shalt  }
0x53: {  	_ =	shalt  }
0x54: {  	_ =	shalt  }
0x55: {  	_ =	shalt  }
0x56: {  	_ =	shalt  }
0x57: {  	_ =	shalt  }
0x58: {  	_ =	shalt  }
0x59: {  	_ =	shalt  }
0x5a: {  	_ =	shalt  }
0x5b: {  	_ =	shalt  }
0x5c: {  	_ =	shalt  }
0x5d: {  	_ =	shalt  }
0x5e: {  	_ =	shalt  }
0x5f: {  	_ =	shalt  }
0x60: {  	_ =	shalt  }
0x61: {  	_ =	shalt  }
0x62: {  	_ =	shalt  }
0x63: {  	_ =	shalt  }
0x64: {  	_ =	shalt  }
0x65: {  	_ =	shalt  }
0x66: {  	_ =	shalt  }
0x67: {  	_ =	shalt  }
0x68: {  	_ =	shalt  }
0x69: {  	_ =	shalt  }
0x6a: {  	_ =	shalt  }
0x6b: {  	_ =	shalt  }
0x6c: {  	_ =	shalt  }
0x6d: {  	_ =	shalt  }
0x6e: {  	_ =	shalt  }
0x6f: {  	_ =	shalt  }
0x70: {  	_ =	shalt  }
0x71: {  	_ =	shalt  }
0x72: {  	_ =	shalt  }
0x73: {  	_ =	shalt  }
0x74: {  	_ =	shalt  }
0x75: {  	_ =	shalt  }
0x76: {  	_ =	shalt  }
0x77: {  	_ =	shalt  }
0x78: {  	_ =	shalt  }
0x79: {  	_ =	shalt  }
0x7a: {  	_ =	shalt  }
0x7b: {  	_ =	shalt  }
0x7c: {  	_ =	shalt  }
0x7d: {  	_ =	shalt  }
0x7e: {  	_ =	shalt  }
0x7f: {  	_ =	shalt  }
0x80: {  	_ =	shalt  }
0x81: {  	_ =	shalt  }
0x82: {  	_ =	shalt  }
0x83: {  	_ =	shalt  }
0x84: {  	_ =	shalt  }
0x85: {  	_ =	shalt  }
0x86: {  	_ =	shalt  }
0x87: {  	_ =	shalt  }
.Lfunc_end0:
.L_simem_size_0:
called_computation_lowered:
.L_overlay_start_0:
0x88: {  	s2 =	sld [smem:$0x3FD9]  }
0x89: {  	s3 =	sld [smem:$0x3FFE];
	_ =	sdelay $0x1  }
0x8a: {  	s1 =	srdreg.scid  }
0x8b: {  	s0 =	sand.u32 $0x1, s1  }
0x8c: {  	s17 =	sshll.u32 s0, $0xA;
	s2 =	sadd.s32 s3, s2  }
0x8d: {  	s2 =	sadd.s32 s2, s17  }
0x8e: {  	[smem:$0x3FB8] =	sst s2  }
0x8f: {  	_ = 	snop  }
0x90: {  	s18 =	sld [smem:$0x3FD0];
	(tm) =	ssettm $0x1  }
0x91: {  	s19 =	sld [smem:$0x3FFB];
	_ =	sdelay $0x3  }
0x92: {  	_ =	strace s19  }
0x93: {  	s2 =	sld [smem:$0x3FFC];
	_ =	sdelay $0x3  }
0x94: {  	_ =	strace s2  }
0x95: {  	s2 =	sld [smem:$0x3FFD];
	_ =	sdelay $0x3  }
0x96: {  	_ =	strace s2  }
0x97: {  	_ =	strace $0x8FFFFFFF  }
0x98: {  	s20 =	sld [smem:$0x3FDB];
	_ =	sdelay $0x1  }
0x99: {  	s4 =	simm.s32 $_scs_section_size  }
0x9a: {  	s5 =	simm.s32 $_size__tile_overlayer_lowered;
	s6 =	simm.s32 $_tile_overlayer_lowered  }
0x9b: {  	s7 =	simm.s32 $0x1BFF;
	s21 =	sshll.u32 s6, $0x1;
	s4 =	sadd.s32 s4, s20  }
0x9c: {  	s22 =	simm.s32 $0x0;
	s5 =	sshll.u32 s5, $0x1;
	s6 =	sadd.s32 s21, s4  }
0x9d: {  	[timem:s22], [sflag:s7] =	dma.local [hbm:s6], s5  }
0x9e: {  	_ =	swait.ge [sflag:s7], s5  }
0x9f: {  	s5 =	ssub.s32 $0x0, s5;
	[sflag:s7] =	ssyncset.done $0x0  }
0xa0: {  	[sflag:s7] =	ssyncadd.s32 s5;
	_ =	sdelay $0x1  }
0xa1: {  	s23 =	simm.s32 $0x1B8B  }
0xa2: {  	_ =	swait.ge [sflag:s23], $0x1  }
0xa3: {  	[sflag:s23] =	ssyncset.done $0x0  }
0xa4: {  	[sflag:s23] =	ssyncadd.s32 $0xFFFFFFFF  }
0xa5: {  	s5 =	sld [smem:$0x0]  }
0xa6: {  	s6 =	sand.u32 $0xFFFFFFFE, s1  }
0xa7: {  	p0 =	sne.s32 s1, s6  }
0xa8: {  	s6 =	sshll.u32 @p0 s6, $0xE  }
0xa9: {  	s6 =	sadd.s32 @p0 $0x11B8D, s6;
	s7 =	sshll.u32 @p0 s5, $0x11  }
0xaa: {  	s6 =	sor.u32 @p0 s7, s6  }
0xab: {  	[sflag:s6] =	ssyncadd.remote.s32 @p0 $0x1;
	_ =	sdelay $0x1  }
0xac: {  	s6 =	simm.s32 @p0 $0x1B8D  }
0xad: {  	_ =	swait.eq @p0 [sflag:s6], $0x1  }
0xae: {  	[sflag:s6] =	ssyncadd.s32 @p0 $0xFFFFFFFF  }
0xaf: {  	s7 =	sshll.u32 @!p0 s1, $0xE  }
0xb0: {  	s7 =	sor.u32 @!p0 $0x4000, s7;
	s6 =	simm.s32 @!p0 $0x1B8D  }
0xb1: {  	s5 =	sshll.u32 @!p0 s5, $0x11;
	s7 =	sadd.s32 @!p0 $0x11B8D, s7;
	_ =	swait.eq @!p0 [sflag:s6], $0x1  }
0xb2: {  	s5 =	sor.u32 @!p0 s5, s7;
	[sflag:s6] =	ssyncadd.s32 @!p0 $0xFFFFFFFF  }
0xb3: {  	s25 =	simm.s32 $0x1B8E;
	s24 =	sld [smem:$0x3FFE];
	[sflag:s5] =	ssyncadd.remote.s32 @!p0 $0x1  }
0xb4: {  	s26 =	simm.s32 $execute0_lowered;
	[smem:$0x3FD2] =	sst s25  }
0xb5: {  	s6 =	sshll.u32 s26, $0x1;
	_ =	strace $0x80000049;
	[dreg:$0x1] =	wrdreg $0xFFFFFFFF  }
0xb6: {  	s28 =	simm.s32 $_size_execute0_lowered;
	s4 =	sadd.s32 s4, s6;
	[dreg:$0x0] =	wrdreg $0x0  }
0xb7: {  	s6 =	sshll.u32 s28, $0x1;
	[dreg:$0x2] =	wrdreg s4  }
0xb8: {  	[dreg:$0x3] =	wrdreg s6  }
0xb9: {  	[dreg:$0x4] =	wrdreg $0xC0  }
0xba: {  	_ =	task [dreg:s22], $0x5FFFF  }
0xbb: {  	[dreg:$0x1] =	wrdreg $0xFFFFFFFF  }
0xbc: {  	[dreg:$0x0] =	wrdreg $0x60  }
0xbd: {  	[dreg:$0x2] =	wrdreg s18  }
0xbe: {  	[dreg:$0x3] =	wrdreg s24  }
0xbf: {  	[dreg:$0x4] =	wrdreg $0x9  }
0xc0: {  	_ =	task.clear_ibuf [dreg:s22], $0x5FFFF;
	_ =	strace $0x90000049  }
0xc1: {  	s29 =	simm.s32 $0x9;
	_ =	strace $0x8000004B  }
0xc2: {  	_ =	swait.ge [sflag:s29], $0x1  }
0xc3: {  	[sflag:s29] =	ssyncadd.s32 $0xFFFFFFFF  }
0xc4: {  	_ =	strace $0x9000004B  }
0xc5: {  	_ =	sfence  }
0xc6: {  	s30 =	sld [smem:$0x0];
	_ =	sdelay $0x2  }
0xc7: {  	s31 =	sshll.u32 s1, $0xD;
	s1 =	sshrl.u32 s1, $0x2  }
0xc8: {  	s4 =	sand.u32 $0x4000, s31;
	s1 =	sadd.s32 s1, s30  }
0xc9: {  	s0 =	sor.u32 s4, s0;
	s1 =	sshll.u32 s1, $0x11  }
0xca: {  	s0 =	sor.u32 s1, s0  }
0xcb: {  	s0 =	sadd.s32 $0x8F2B, s0  }
0xcc: {  	[sflag:s0] =	ssyncadd.remote.s32 $0x1  }
0xcd: {  	_ =	sfence.sel $0xFFFF  }
0xce: {  	[dreg:$0x0] =	wrdreg $0xFFFFFFFF;
	(pc) =	sbr.abs _section_cstart, $3  }
0xcf: {  	[dreg:$0x1] =	wrdreg $0xFFFFFFFF  }
0xd0: {  	_ =	task.clear_ibuf [dreg:s22], $0x2FFFF;
	_ =	strace $0x9FFFFFFF  }
0xd1: {  	(tm) =	ssettm $0x7FFFFFFF  }
tec
execute0_lowered:
.L_overlay_start_1:
0x0: {  	(tag) =	ssettag $0x1  }
0x1: {  	s0 =	rddreg [dreg:$0x0]  }
0x2: {  	s1 =	rddreg [dreg:$0x1];
	s2 =	simm.s32 $0x0;
	s3 =	srdreg.scid  }
0x3: {  	s9 =	stileid.u32;
	s15 =	simm.s32 $0x14980;
	s16 =	simm.s32 $0x15180  }
0x4: {  	s17 =	simm.s32 $0x15980;
	s18 =	simm.s32 $0x16180;
	s19 =	simm.s32 $0x16980  }
0x5: {  	s20 =	simm.s32 $0x17180;
	s21 =	simm.s32 $0x17980;
	s28 =	simm.s32 $0x1A180  }
0x6: {  	s29 =	simm.s32 $0x1A980;
	s30 =	simm.s32 $0x1B180;
	s31 =	simm.s32 $0x1B980  }
0x7: {  	s10 =	simm.s32 $0x5;
	s11 =	simm.s32 $0x6;
	s12 =	simm.s32 $0x0  }
0x8: {  	[smem:$0x7FF] =	sst s2;
	s4 =	sand.u32 $0x1, s3;
	s3 =	sadd.s32 $0x10AC00, s1  }
0x9: {  	s22 =	sshll.u32 s9, $0x1;
	s1 =	sadd.s32 $0x16CC00, s1;
	s23 =	smul.u32 $0x126000, s9  }
0xa: {  	s5 =	sor.u32 s4, s22;
	s6 =	ssub.s32 $0x2, s4;
	s4 =	smul.u32 $0x93000, s4  }
0xb: {  	s9 =	simm.s32 $0x4980;
	_ =	strace $0x8000004A;
	s7 =	smul.u32 $0x4980, s5  }
0xc: {  	s22 =	simm.s32 $0x18180;
	s8 =	sshrl.u32 s6, $0x1;
	s5 =	smul.u32 $0x93000, s5  }
0xd: {  	s26 =	sadd.s32 s23, s1;
	s23 =	simm.s32 $0x18980;
	s6 =	ssub.s32 s6, s8  }
0xe: {  	s8 =	simm.s32 $0x4;
	s7 =	sshrl.u32 s7, $0x3;
	s24 =	sadd.s32 s1, s5  }
.Ltmp0:
0xf: {  	s25 =	smax.u32 s6, $0x1;
	s1 =	simm.s32 $0x1;
	(pc) =	sbr.rel .LBB2_1-.Ltmp0, $4  }
0x10: {  	s5 =	simm.s32 $0x3;
	s0 =	sadd.s32 s0, s7;
	[dreg:$0x4] =	wrdreg s25  }
0x11: {  	v2 =	vlaneseq.u32;
	s7 =	sadd.s32 s4, s26;
	s25 =	simm.s32 $0xC980;
	s26 =	simm.s32 $0x19980  }
0x12: {  	vm0 =	vmmov $0xffff;
	v1 =	vshrl.u32 v2, $0x3;
	s4 =	simm.s32 $0x2;
	[dreg:$0x3] =	wrdreg s0;
	s0 =	sadd.s32 $0x91000, s24  }
0x13: {  	v0 =	vand.u32 $0x7, v2;
	v2 =	vor.u32 $0x8, v2;
	v1 =	vmul.u32 $0x8, v1;
	s24 =	simm.s32 $0x19180;
	[dreg:$0x5] =	wrdreg s0;
	s0 =	simm.s32 $0x1C180  }
.LBB2_7:
0x14: {  	_ =	swait.ge [sflag:s8], $0x8000  }
0x15: {  	[sflag:s8] =	ssyncset.done $0x0  }
0x16: {  	[sflag:s8] =	ssyncadd.s32 $0xFFFF8000  }
0x17: {  	_ =	swait.ge [sflag:s10], $0x8000  }
0x18: {  	[sflag:s10] =	ssyncset.done $0x0  }
0x19: {  	[sflag:s10] =	ssyncadd.s32 $0xFFFF8000  }
0x1a: {  	_ =	swait.ge [sflag:s11], $0x8000  }
0x1b: {  	s12 =	rddreg [dreg:$0x6]  }
0x1c: {  	s6 =	rddreg [dreg:$0x4];
	s12 =	sadd.s32 $0x1, s12  }
0x1d: {  	p0 =	sne.s32 s12, s6  }
.Ltmp1:
0x1e: {  	_ = 	snop;
	(pc) =	sbr.rel @!p0 .LBB2_8-.Ltmp1, $3  }
0x1f: {  	_ =	sdelay $0x1  }
0x20: {  	[sflag:s11] =	ssyncset.done $0x0  }
0x21: {  	[sflag:s11] =	ssyncadd.s32 $0xFFFF8000  }
.LBB2_1:
0x22: {  	[dreg:$0x6] =	wrdreg s12  }
0x23: {  	s6 =	rddreg [dreg:$0x3];
	s14 =	simm.s32 $0x7  }
0x24: {  	[tilespmem:s2], [sflag:$0x7] =	stream.linear.gather [hbm4b:s6+s2], $0x4980, $0x38;
	[tilespmem:$0x1C980] =	vst v63  }
0x25: {  	_ =	swait.ge [sflag:s14], $0x4980  }
0x26: {  	[sflag:s14] =	ssyncset.done $0x0  }
0x27: {  	[sflag:s14] =	ssyncadd.s32 $0xFFFFB680  }
0x28: {  	v3 =	vld [tilespmem:$0x0];
	_ =	sdelay $0x4  }
0x29: {  	v4 =	vshll.u32 v3, $0x1  }
0x2a: {  	v3 =	vand.u32 $0x7, v3;
	v4 =	vand.u32 $0xFFFFFFF0, v4  }
0x2b: {  	v3 =	vor.u32 v3, v4  }
0x2c: {  	v4 =	vperm.xlane v3, v0;
	_ =	sdelay $0x1  }
0x2d: {  	v3 =	vperm.xlane v3, v2;
	v4 =	vadd.s32 v1, v4;
	_ =	sdelay $0x1  }
0x2e: {  	v3 =	vadd.s32 v1, v3;
	_ =	sdelay $0x2  }
0x2f: {  	[tilespmem:s9], [sflag:$0x1] =	stream.indirect_vreg.gather [hbm4b:s3+s2], $0x80, v4, vm0, $0xb8;
	[tilespmem:$0x1C980] =	vst v63  }
0x30: {  	s12 =	simm.s32 $0x5180  }
0x31: {  	[tilespmem:s12], [sflag:$0x1] =	stream.indirect_vreg.gather [hbm4b:s3+s2], $0x80, v3, vm0, $0xb8;
	[tilespmem:$0x1C980] =	vst v63  }
0x32: {  	v3 =	vld [tilespmem:$0x10];
	_ =	sdelay $0x4  }
0x33: {  	v41 =	vshll.u32 v3, $0x1  }
0x34: {  	v3 =	vand.u32 $0x7, v3;
	v4 =	vand.u32 $0xFFFFFFF0, v41  }
0x35: {  	v3 =	vor.u32 v3, v4  }
0x36: {  	v4 =	vperm.xlane v3, v0;
	_ =	sdelay $0x1  }
0x37: {  	v3 =	vperm.xlane v3, v2;
	v4 =	vadd.s32 v1, v4;
	_ =	sdelay $0x1  }
0x38: {  	v3 =	vadd.s32 v1, v3;
	_ =	sdelay $0x1  }
0x39: {  	s13 =	simm.s32 $0x5980  }
0x3a: {  	[tilespmem:s13], [sflag:$0x1] =	stream.indirect_vreg.gather [hbm4b:s3+s2], $0x80, v4, vm0, $0xb8;
	[tilespmem:$0x1C980] =	vst v63  }
0x3b: {  	s14 =	simm.s32 $0x6180  }
0x3c: {  	[tilespmem:s14], [sflag:$0x1] =	stream.indirect_vreg.gather [hbm4b:s3+s2], $0x80, v3, vm0, $0xb8;
	[tilespmem:$0x1C980] =	vst v63  }
0x3d: {  	v3 =	vld [tilespmem:$0x20];
	_ =	sdelay $0x4  }
0x3e: {  	v42 =	vshll.u32 v3, $0x1  }
0x3f: {  	v3 =	vand.u32 $0x7, v3;
	v4 =	vand.u32 $0xFFFFFFF0, v42  }
0x40: {  	v3 =	vor.u32 v3, v4  }
0x41: {  	v4 =	vperm.xlane v3, v0;
	_ =	sdelay $0x1  }
0x42: {  	v3 =	vperm.xlane v3, v2;
	v4 =	vadd.s32 v1, v4;
	_ =	sdelay $0x1  }
0x43: {  	v3 =	vadd.s32 v1, v3;
	_ =	sdelay $0x1  }
0x44: {  	s12 =	simm.s32 $0x6980  }
0x45: {  	[tilespmem:s12], [sflag:$0x1] =	stream.indirect_vreg.gather [hbm4b:s3+s2], $0x80, v4, vm0, $0xb8;
	[tilespmem:$0x1C980] =	vst v63  }
0x46: {  	s13 =	simm.s32 $0x7180  }
0x47: {  	[tilespmem:s13], [sflag:$0x1] =	stream.indirect_vreg.gather [hbm4b:s3+s2], $0x80, v3, vm0, $0xb8;
	[tilespmem:$0x1C980] =	vst v63  }
0x48: {  	v3 =	vld [tilespmem:$0x30];
	_ =	sdelay $0x4  }
0x49: {  	v43 =	vshll.u32 v3, $0x1  }
0x4a: {  	v3 =	vand.u32 $0x7, v3;
	v4 =	vand.u32 $0xFFFFFFF0, v43  }
0x4b: {  	v3 =	vor.u32 v3, v4  }
0x4c: {  	v4 =	vperm.xlane v3, v0;
	_ =	sdelay $0x1  }
0x4d: {  	v3 =	vperm.xlane v3, v2;
	v4 =	vadd.s32 v1, v4;
	_ =	sdelay $0x1  }
0x4e: {  	v3 =	vadd.s32 v1, v3;
	_ =	sdelay $0x1  }
0x4f: {  	s14 =	simm.s32 $0x7980  }
0x50: {  	[tilespmem:s14], [sflag:$0x1] =	stream.indirect_vreg.gather [hbm4b:s3+s2], $0x80, v4, vm0, $0xb8;
	[tilespmem:$0x1C980] =	vst v63  }
0x51: {  	s12 =	simm.s32 $0x8180  }
0x52: {  	[tilespmem:s12], [sflag:$0x1] =	stream.indirect_vreg.gather [hbm4b:s3+s2], $0x80, v3, vm0, $0xb8;
	[tilespmem:$0x1C980] =	vst v63  }
0x53: {  	v3 =	vld [tilespmem:$0x40];
	_ =	sdelay $0x4  }
0x54: {  	v44 =	vshll.u32 v3, $0x1  }
0x55: {  	v3 =	vand.u32 $0x7, v3;
	v4 =	vand.u32 $0xFFFFFFF0, v44  }
0x56: {  	v3 =	vor.u32 v3, v4  }
0x57: {  	v4 =	vperm.xlane v3, v0;
	_ =	sdelay $0x1  }
0x58: {  	v3 =	vperm.xlane v3, v2;
	v4 =	vadd.s32 v1, v4;
	_ =	sdelay $0x1  }
0x59: {  	v3 =	vadd.s32 v1, v3;
	_ =	sdelay $0x1  }
0x5a: {  	s13 =	simm.s32 $0x8980  }
0x5b: {  	[tilespmem:s13], [sflag:$0x1] =	stream.indirect_vreg.gather [hbm4b:s3+s2], $0x80, v4, vm0, $0xb8;
	[tilespmem:$0x1C980] =	vst v63  }
0x5c: {  	s14 =	simm.s32 $0x9180  }
0x5d: {  	[tilespmem:s14], [sflag:$0x1] =	stream.indirect_vreg.gather [hbm4b:s3+s2], $0x80, v3, vm0, $0xb8;
	[tilespmem:$0x1C980] =	vst v63  }
0x5e: {  	v3 =	vld [tilespmem:$0x50];
	_ =	sdelay $0x4  }
0x5f: {  	v45 =	vshll.u32 v3, $0x1  }
0x60: {  	v3 =	vand.u32 $0x7, v3;
	v4 =	vand.u32 $0xFFFFFFF0, v45  }
0x61: {  	v3 =	vor.u32 v3, v4  }
0x62: {  	v4 =	vperm.xlane v3, v0;
	_ =	sdelay $0x1  }
0x63: {  	v3 =	vperm.xlane v3, v2;
	v4 =	vadd.s32 v1, v4;
	_ =	sdelay $0x1  }
0x64: {  	v3 =	vadd.s32 v1, v3;
	_ =	sdelay $0x1  }
0x65: {  	s12 =	simm.s32 $0x9980  }
0x66: {  	[tilespmem:s12], [sflag:$0x1] =	stream.indirect_vreg.gather [hbm4b:s3+s2], $0x80, v4, vm0, $0xb8;
	[tilespmem:$0x1C980] =	vst v63  }
0x67: {  	s13 =	simm.s32 $0xA180  }
0x68: {  	[tilespmem:s13], [sflag:$0x1] =	stream.indirect_vreg.gather [hbm4b:s3+s2], $0x80, v3, vm0, $0xb8;
	[tilespmem:$0x1C980] =	vst v63  }
0x69: {  	v3 =	vld [tilespmem:$0x60];
	_ =	sdelay $0x4  }
0x6a: {  	v46 =	vshll.u32 v3, $0x1  }
0x6b: {  	v3 =	vand.u32 $0x7, v3;
	v4 =	vand.u32 $0xFFFFFFF0, v46  }
0x6c: {  	v3 =	vor.u32 v3, v4  }
0x6d: {  	v4 =	vperm.xlane v3, v0;
	_ =	sdelay $0x1  }
0x6e: {  	v3 =	vperm.xlane v3, v2;
	v4 =	vadd.s32 v1, v4;
	_ =	sdelay $0x1  }
0x6f: {  	v3 =	vadd.s32 v1, v3;
	_ =	sdelay $0x1  }
0x70: {  	s14 =	simm.s32 $0xA980  }
0x71: {  	[tilespmem:s14], [sflag:$0x1] =	stream.indirect_vreg.gather [hbm4b:s3+s2], $0x80, v4, vm0, $0xb8;
	[tilespmem:$0x1C980] =	vst v63  }
0x72: {  	s12 =	simm.s32 $0xB180  }
0x73: {  	[tilespmem:s12], [sflag:$0x1] =	stream.indirect_vreg.gather [hbm4b:s3+s2], $0x80, v3, vm0, $0xb8;
	[tilespmem:$0x1C980] =	vst v63  }
0x74: {  	v3 =	vld [tilespmem:$0x70];
	_ =	sdelay $0x4  }
0x75: {  	v47 =	vshll.u32 v3, $0x1  }
0x76: {  	v3 =	vand.u32 $0x7, v3;
	v4 =	vand.u32 $0xFFFFFFF0, v47  }
0x77: {  	v3 =	vor.u32 v3, v4  }
0x78: {  	v4 =	vperm.xlane v3, v0;
	_ =	sdelay $0x1  }
0x79: {  	v3 =	vperm.xlane v3, v2;
	v4 =	vadd.s32 v1, v4;
	_ =	sdelay $0x1  }
0x7a: {  	v3 =	vadd.s32 v1, v3;
	_ =	sdelay $0x1  }
0x7b: {  	s13 =	simm.s32 $0xB980  }
0x7c: {  	[tilespmem:s13], [sflag:$0x1] =	stream.indirect_vreg.gather [hbm4b:s3+s2], $0x80, v4, vm0, $0xb8;
	[tilespmem:$0x1C980] =	vst v63  }
0x7d: {  	s14 =	simm.s32 $0xC180  }
0x7e: {  	[tilespmem:s14], [sflag:$0x1] =	stream.indirect_vreg.gather [hbm4b:s3+s2], $0x80, v3, vm0, $0xb8;
	[tilespmem:$0x1C980] =	vst v63  }
0x7f: {  	v3 =	vld [tilespmem:$0x80];
	_ =	sdelay $0x4  }
0x80: {  	v48 =	vshll.u32 v3, $0x1  }
0x81: {  	v3 =	vand.u32 $0x7, v3;
	v4 =	vand.u32 $0xFFFFFFF0, v48  }
0x82: {  	v3 =	vor.u32 v3, v4  }
0x83: {  	v4 =	vperm.xlane v3, v0;
	_ =	sdelay $0x1  }
0x84: {  	v3 =	vperm.xlane v3, v2;
	v4 =	vadd.s32 v1, v4;
	_ =	sdelay $0x1  }
0x85: {  	v3 =	vadd.s32 v1, v3;
	_ =	sdelay $0x2  }
0x86: {  	[tilespmem:s25], [sflag:$0x2] =	stream.indirect_vreg.gather [hbm4b:s3+s2], $0x80, v4, vm0, $0xb8;
	[tilespmem:$0x1C980] =	vst v63  }
0x87: {  	s12 =	simm.s32 $0xD180  }
0x88: {  	[tilespmem:s12], [sflag:$0x2] =	stream.indirect_vreg.gather [hbm4b:s3+s2], $0x80, v3, vm0, $0xb8;
	[tilespmem:$0x1C980] =	vst v63  }
0x89: {  	v3 =	vld [tilespmem:$0x90];
	_ =	sdelay $0x4  }
0x8a: {  	v49 =	vshll.u32 v3, $0x1  }
0x8b: {  	v3 =	vand.u32 $0x7, v3;
	v4 =	vand.u32 $0xFFFFFFF0, v49  }
0x8c: {  	v3 =	vor.u32 v3, v4  }
0x8d: {  	v4 =	vperm.xlane v3, v0;
	_ =	sdelay $0x1  }
0x8e: {  	v3 =	vperm.xlane v3, v2;
	v4 =	vadd.s32 v1, v4;
	_ =	sdelay $0x1  }
0x8f: {  	v3 =	vadd.s32 v1, v3;
	_ =	sdelay $0x1  }
0x90: {  	s13 =	simm.s32 $0xD980  }
0x91: {  	[tilespmem:s13], [sflag:$0x2] =	stream.indirect_vreg.gather [hbm4b:s3+s2], $0x80, v4, vm0, $0xb8;
	[tilespmem:$0x1C980] =	vst v63  }
0x92: {  	s14 =	simm.s32 $0xE180  }
0x93: {  	[tilespmem:s14], [sflag:$0x2] =	stream.indirect_vreg.gather [hbm4b:s3+s2], $0x80, v3, vm0, $0xb8;
	[tilespmem:$0x1C980] =	vst v63  }
0x94: {  	v3 =	vld [tilespmem:$0xA0];
	_ =	sdelay $0x4  }
0x95: {  	v50 =	vshll.u32 v3, $0x1  }
0x96: {  	v3 =	vand.u32 $0x7, v3;
	v4 =	vand.u32 $0xFFFFFFF0, v50  }
0x97: {  	v3 =	vor.u32 v3, v4  }
0x98: {  	v4 =	vperm.xlane v3, v0;
	_ =	sdelay $0x1  }
0x99: {  	v3 =	vperm.xlane v3, v2;
	v4 =	vadd.s32 v1, v4;
	_ =	sdelay $0x1  }
0x9a: {  	v3 =	vadd.s32 v1, v3;
	_ =	sdelay $0x1  }
0x9b: {  	s12 =	simm.s32 $0xE980  }
0x9c: {  	[tilespmem:s12], [sflag:$0x2] =	stream.indirect_vreg.gather [hbm4b:s3+s2], $0x80, v4, vm0, $0xb8;
	[tilespmem:$0x1C980] =	vst v63  }
0x9d: {  	s13 =	simm.s32 $0xF180  }
0x9e: {  	[tilespmem:s13], [sflag:$0x2] =	stream.indirect_vreg.gather [hbm4b:s3+s2], $0x80, v3, vm0, $0xb8;
	[tilespmem:$0x1C980] =	vst v63  }
0x9f: {  	v3 =	vld [tilespmem:$0xB0];
	_ =	sdelay $0x4  }
0xa0: {  	v51 =	vshll.u32 v3, $0x1  }
0xa1: {  	v3 =	vand.u32 $0x7, v3;
	v4 =	vand.u32 $0xFFFFFFF0, v51  }
0xa2: {  	v3 =	vor.u32 v3, v4  }
0xa3: {  	v4 =	vperm.xlane v3, v0;
	_ =	sdelay $0x1  }
0xa4: {  	v3 =	vperm.xlane v3, v2;
	v4 =	vadd.s32 v1, v4;
	_ =	sdelay $0x1  }
0xa5: {  	v3 =	vadd.s32 v1, v3;
	_ =	sdelay $0x1  }
0xa6: {  	s14 =	simm.s32 $0xF980  }
0xa7: {  	[tilespmem:s14], [sflag:$0x2] =	stream.indirect_vreg.gather [hbm4b:s3+s2], $0x80, v4, vm0, $0xb8;
	[tilespmem:$0x1C980] =	vst v63  }
0xa8: {  	s12 =	simm.s32 $0x10180  }
0xa9: {  	[tilespmem:s12], [sflag:$0x2] =	stream.indirect_vreg.gather [hbm4b:s3+s2], $0x80, v3, vm0, $0xb8;
	[tilespmem:$0x1C980] =	vst v63  }
0xaa: {  	v3 =	vld [tilespmem:$0xC0];
	_ =	sdelay $0x4  }
0xab: {  	v52 =	vshll.u32 v3, $0x1  }
0xac: {  	v3 =	vand.u32 $0x7, v3;
	v4 =	vand.u32 $0xFFFFFFF0, v52  }
0xad: {  	v3 =	vor.u32 v3, v4  }
0xae: {  	v4 =	vperm.xlane v3, v0;
	_ =	sdelay $0x1  }
0xaf: {  	v3 =	vperm.xlane v3, v2;
	v4 =	vadd.s32 v1, v4;
	_ =	sdelay $0x1  }
0xb0: {  	v3 =	vadd.s32 v1, v3;
	_ =	sdelay $0x1  }
0xb1: {  	s13 =	simm.s32 $0x10980  }
0xb2: {  	[tilespmem:s13], [sflag:$0x2] =	stream.indirect_vreg.gather [hbm4b:s3+s2], $0x80, v4, vm0, $0xb8;
	[tilespmem:$0x1C980] =	vst v63  }
0xb3: {  	s14 =	simm.s32 $0x11180  }
0xb4: {  	[tilespmem:s14], [sflag:$0x2] =	stream.indirect_vreg.gather [hbm4b:s3+s2], $0x80, v3, vm0, $0xb8;
	[tilespmem:$0x1C980] =	vst v63  }
0xb5: {  	v3 =	vld [tilespmem:$0xD0];
	_ =	sdelay $0x4  }
0xb6: {  	v53 =	vshll.u32 v3, $0x1  }
0xb7: {  	v3 =	vand.u32 $0x7, v3;
	v4 =	vand.u32 $0xFFFFFFF0, v53  }
0xb8: {  	v3 =	vor.u32 v3, v4  }
0xb9: {  	v4 =	vperm.xlane v3, v0;
	_ =	sdelay $0x1  }
0xba: {  	v3 =	vperm.xlane v3, v2;
	v4 =	vadd.s32 v1, v4;
	_ =	sdelay $0x1  }
0xbb: {  	v3 =	vadd.s32 v1, v3;
	_ =	sdelay $0x1  }
0xbc: {  	s12 =	simm.s32 $0x11980  }
0xbd: {  	[tilespmem:s12], [sflag:$0x2] =	stream.indirect_vreg.gather [hbm4b:s3+s2], $0x80, v4, vm0, $0xb8;
	[tilespmem:$0x1C980] =	vst v63  }
0xbe: {  	s13 =	simm.s32 $0x12180  }
0xbf: {  	[tilespmem:s13], [sflag:$0x2] =	stream.indirect_vreg.gather [hbm4b:s3+s2], $0x80, v3, vm0, $0xb8;
	[tilespmem:$0x1C980] =	vst v63  }
0xc0: {  	v3 =	vld [tilespmem:$0xE0];
	_ =	sdelay $0x4  }
0xc1: {  	v54 =	vshll.u32 v3, $0x1  }
0xc2: {  	v3 =	vand.u32 $0x7, v3;
	v4 =	vand.u32 $0xFFFFFFF0, v54  }
0xc3: {  	v3 =	vor.u32 v3, v4  }
0xc4: {  	v4 =	vperm.xlane v3, v0;
	_ =	sdelay $0x1  }
0xc5: {  	v3 =	vperm.xlane v3, v2;
	v4 =	vadd.s32 v1, v4;
	_ =	sdelay $0x1  }
0xc6: {  	v3 =	vadd.s32 v1, v3;
	_ =	sdelay $0x1  }
0xc7: {  	s14 =	simm.s32 $0x12980  }
0xc8: {  	[tilespmem:s14], [sflag:$0x2] =	stream.indirect_vreg.gather [hbm4b:s3+s2], $0x80, v4, vm0, $0xb8;
	[tilespmem:$0x1C980] =	vst v63  }
0xc9: {  	s12 =	simm.s32 $0x13180  }
0xca: {  	[tilespmem:s12], [sflag:$0x2] =	stream.indirect_vreg.gather [hbm4b:s3+s2], $0x80, v3, vm0, $0xb8;
	[tilespmem:$0x1C980] =	vst v63  }
0xcb: {  	v3 =	vld [tilespmem:$0xF0];
	_ =	sdelay $0x4  }
0xcc: {  	v55 =	vshll.u32 v3, $0x1  }
0xcd: {  	v3 =	vand.u32 $0x7, v3;
	v4 =	vand.u32 $0xFFFFFFF0, v55  }
0xce: {  	v3 =	vor.u32 v3, v4  }
0xcf: {  	v4 =	vperm.xlane v3, v0;
	_ =	sdelay $0x1  }
0xd0: {  	v3 =	vperm.xlane v3, v2;
	v4 =	vadd.s32 v1, v4;
	_ =	sdelay $0x1  }
0xd1: {  	v3 =	vadd.s32 v1, v3;
	_ =	sdelay $0x1  }
0xd2: {  	s13 =	simm.s32 $0x13980  }
0xd3: {  	[tilespmem:s13], [sflag:$0x2] =	stream.indirect_vreg.gather [hbm4b:s3+s2], $0x80, v4, vm0, $0xb8;
	[tilespmem:$0x1C980] =	vst v63  }
0xd4: {  	s14 =	simm.s32 $0x14180  }
0xd5: {  	[tilespmem:s14], [sflag:$0x2] =	stream.indirect_vreg.gather [hbm4b:s3+s2], $0x80, v3, vm0, $0xb8;
	[tilespmem:$0x1C980] =	vst v63  }
0xd6: {  	v3 =	vld [tilespmem:$0x100];
	_ =	sdelay $0x4  }
0xd7: {  	v56 =	vshll.u32 v3, $0x1  }
0xd8: {  	v3 =	vand.u32 $0x7, v3;
	v4 =	vand.u32 $0xFFFFFFF0, v56  }
0xd9: {  	v3 =	vor.u32 v3, v4  }
0xda: {  	v4 =	vperm.xlane v3, v0;
	_ =	sdelay $0x1  }
0xdb: {  	v3 =	vperm.xlane v3, v2;
	v4 =	vadd.s32 v1, v4;
	_ =	sdelay $0x1  }
0xdc: {  	v3 =	vadd.s32 v1, v3;
	_ =	sdelay $0x2  }
0xdd: {  	[tilespmem:s15], [sflag:$0x3] =	stream.indirect_vreg.gather [hbm4b:s3+s2], $0x80, v4, vm0, $0xb8;
	[tilespmem:$0x1C980] =	vst v63  }
0xde: {  	_ = 	snop  }
0xdf: {  	[tilespmem:s16], [sflag:$0x3] =	stream.indirect_vreg.gather [hbm4b:s3+s2], $0x80, v3, vm0, $0xb8;
	[tilespmem:$0x1C980] =	vst v63  }
0xe0: {  	v3 =	vld [tilespmem:$0x110];
	_ =	sdelay $0x4  }
0xe1: {  	v57 =	vshll.u32 v3, $0x1  }
0xe2: {  	v3 =	vand.u32 $0x7, v3;
	v4 =	vand.u32 $0xFFFFFFF0, v57  }
0xe3: {  	v3 =	vor.u32 v3, v4  }
0xe4: {  	v4 =	vperm.xlane v3, v0;
	_ =	sdelay $0x1  }
0xe5: {  	v3 =	vperm.xlane v3, v2;
	v4 =	vadd.s32 v1, v4;
	_ =	sdelay $0x1  }
0xe6: {  	v3 =	vadd.s32 v1, v3;
	_ =	sdelay $0x2  }
0xe7: {  	[tilespmem:s17], [sflag:$0x3] =	stream.indirect_vreg.gather [hbm4b:s3+s2], $0x80, v4, vm0, $0xb8;
	[tilespmem:$0x1C980] =	vst v63  }
0xe8: {  	_ = 	snop  }
0xe9: {  	[tilespmem:s18], [sflag:$0x3] =	stream.indirect_vreg.gather [hbm4b:s3+s2], $0x80, v3, vm0, $0xb8;
	[tilespmem:$0x1C980] =	vst v63  }
0xea: {  	v3 =	vld [tilespmem:$0x120];
	_ =	sdelay $0x4  }
0xeb: {  	v58 =	vshll.u32 v3, $0x1  }
0xec: {  	v3 =	vand.u32 $0x7, v3;
	v4 =	vand.u32 $0xFFFFFFF0, v58  }
0xed: {  	v3 =	vor.u32 v3, v4  }
0xee: {  	v4 =	vperm.xlane v3, v0;
	_ =	sdelay $0x1  }
0xef: {  	v3 =	vperm.xlane v3, v2;
	v4 =	vadd.s32 v1, v4;
	_ =	sdelay $0x1  }
0xf0: {  	v3 =	vadd.s32 v1, v3;
	_ =	sdelay $0x2  }
0xf1: {  	[tilespmem:s19], [sflag:$0x3] =	stream.indirect_vreg.gather [hbm4b:s3+s2], $0x80, v4, vm0, $0xb8;
	[tilespmem:$0x1C980] =	vst v63  }
0xf2: {  	_ = 	snop  }
0xf3: {  	[tilespmem:s20], [sflag:$0x3] =	stream.indirect_vreg.gather [hbm4b:s3+s2], $0x80, v3, vm0, $0xb8;
	[tilespmem:$0x1C980] =	vst v63  }
0xf4: {  	v3 =	vld [tilespmem:$0x130];
	_ =	sdelay $0x4  }
0xf5: {  	v59 =	vshll.u32 v3, $0x1  }
0xf6: {  	v3 =	vand.u32 $0x7, v3;
	v4 =	vand.u32 $0xFFFFFFF0, v59  }
0xf7: {  	v3 =	vor.u32 v3, v4  }
0xf8: {  	v4 =	vperm.xlane v3, v0;
	_ =	sdelay $0x1  }
0xf9: {  	v3 =	vperm.xlane v3, v2;
	v4 =	vadd.s32 v1, v4;
	_ =	sdelay $0x1  }
0xfa: {  	v3 =	vadd.s32 v1, v3;
	_ =	sdelay $0x2  }
0xfb: {  	[tilespmem:s21], [sflag:$0x3] =	stream.indirect_vreg.gather [hbm4b:s3+s2], $0x80, v4, vm0, $0xb8;
	[tilespmem:$0x1C980] =	vst v63  }
0xfc: {  	_ = 	snop  }
0xfd: {  	[tilespmem:s22], [sflag:$0x3] =	stream.indirect_vreg.gather [hbm4b:s3+s2], $0x80, v3, vm0, $0xb8;
	[tilespmem:$0x1C980] =	vst v63  }
0xfe: {  	v3 =	vld [tilespmem:$0x140];
	_ =	sdelay $0x4  }
0xff: {  	v60 =	vshll.u32 v3, $0x1  }
0x100: {  	v3 =	vand.u32 $0x7, v3;
	v4 =	vand.u32 $0xFFFFFFF0, v60  }
0x101: {  	v3 =	vor.u32 v3, v4  }
0x102: {  	v4 =	vperm.xlane v3, v0;
	_ =	sdelay $0x1  }
0x103: {  	v3 =	vperm.xlane v3, v2;
	v4 =	vadd.s32 v1, v4;
	_ =	sdelay $0x1  }
0x104: {  	v3 =	vadd.s32 v1, v3;
	_ =	sdelay $0x2  }
0x105: {  	[tilespmem:s23], [sflag:$0x3] =	stream.indirect_vreg.gather [hbm4b:s3+s2], $0x80, v4, vm0, $0xb8;
	[tilespmem:$0x1C980] =	vst v63  }
0x106: {  	_ = 	snop  }
0x107: {  	[tilespmem:s24], [sflag:$0x3] =	stream.indirect_vreg.gather [hbm4b:s3+s2], $0x80, v3, vm0, $0xb8;
	[tilespmem:$0x1C980] =	vst v63  }
0x108: {  	v3 =	vld [tilespmem:$0x150];
	_ =	sdelay $0x4  }
0x109: {  	v61 =	vshll.u32 v3, $0x1  }
0x10a: {  	v3 =	vand.u32 $0x7, v3;
	v4 =	vand.u32 $0xFFFFFFF0, v61  }
0x10b: {  	v3 =	vor.u32 v3, v4  }
0x10c: {  	v4 =	vperm.xlane v3, v0;
	_ =	sdelay $0x1  }
0x10d: {  	v3 =	vperm.xlane v3, v2;
	v4 =	vadd.s32 v1, v4;
	_ =	sdelay $0x1  }
0x10e: {  	v3 =	vadd.s32 v1, v3;
	_ =	sdelay $0x2  }
0x10f: {  	[tilespmem:s26], [sflag:$0x3] =	stream.indirect_vreg.gather [hbm4b:s3+s2], $0x80, v4, vm0, $0xb8;
	[tilespmem:$0x1C980] =	vst v63  }
0x110: {  	_ = 	snop  }
0x111: {  	[tilespmem:s28], [sflag:$0x3] =	stream.indirect_vreg.gather [hbm4b:s3+s2], $0x80, v3, vm0, $0xb8;
	[tilespmem:$0x1C980] =	vst v63  }
0x112: {  	v3 =	vld [tilespmem:$0x160];
	_ =	sdelay $0x4  }
0x113: {  	v62 =	vshll.u32 v3, $0x1  }
0x114: {  	v3 =	vand.u32 $0x7, v3;
	v4 =	vand.u32 $0xFFFFFFF0, v62  }
0x115: {  	v3 =	vor.u32 v3, v4  }
0x116: {  	v4 =	vperm.xlane v3, v0;
	_ =	sdelay $0x1  }
0x117: {  	v3 =	vperm.xlane v3, v2;
	v4 =	vadd.s32 v1, v4;
	_ =	sdelay $0x1  }
0x118: {  	v3 =	vadd.s32 v1, v3;
	_ =	sdelay $0x2  }
0x119: {  	[tilespmem:s29], [sflag:$0x3] =	stream.indirect_vreg.gather [hbm4b:s3+s2], $0x80, v4, vm0, $0xb8;
	[tilespmem:$0x1C980] =	vst v63  }
0x11a: {  	_ = 	snop  }
0x11b: {  	[tilespmem:s30], [sflag:$0x3] =	stream.indirect_vreg.gather [hbm4b:s3+s2], $0x80, v3, vm0, $0xb8;
	[tilespmem:$0x1C980] =	vst v63  }
0x11c: {  	v3 =	vld [tilespmem:$0x170];
	_ =	sdelay $0x4  }
0x11d: {  	v63 =	vshll.u32 v3, $0x1  }
0x11e: {  	v3 =	vand.u32 $0x7, v3;
	v4 =	vand.u32 $0xFFFFFFF0, v63  }
0x11f: {  	v3 =	vor.u32 v3, v4  }
0x120: {  	v4 =	vperm.xlane v3, v0;
	_ =	sdelay $0x1  }
0x121: {  	v3 =	vperm.xlane v3, v2;
	v4 =	vadd.s32 v1, v4;
	_ =	sdelay $0x1  }
0x122: {  	v3 =	vadd.s32 v1, v3;
	_ =	sdelay $0x2  }
0x123: {  	[tilespmem:s31], [sflag:$0x3] =	stream.indirect_vreg.gather [hbm4b:s3+s2], $0x80, v4, vm0, $0xb8;
	[tilespmem:$0x1C980] =	vst v63  }
0x124: {  	s12 =	simm.s32 $0x2F0;
	s13 =	simm.s32 $0x0  }
0x125: {  	[tilespmem:s0], [sflag:$0x3] =	stream.indirect_vreg.gather [hbm4b:s3+s2], $0x80, v3, vm0, $0xb8;
	[tilespmem:$0x1C980] =	vst v63  }
.LBB2_2:
0x126: {  	p0 =	seq.s32 s13, $0x90000  }
.Ltmp2:
0x127: {  	_ = 	snop;
	(pc) =	sbr.rel @!p0 .LBB2_3-.Ltmp2, $4  }
0x128: {  	_ =	swait.ge [sflag:s1], $0x8000  }
0x129: {  	[sflag:s1] =	ssyncset.done $0x0  }
0x12a: {  	s14 =	sadd.s32 s13, s7;
	[sflag:s1] =	ssyncadd.s32 $0xFFFF8000  }
0x12b: {  	[hbm4b:s14+s2] =	stream.linear.scatter [tilespmem:s9], [sflag:$0x4], $0x8000, $0x38;
	[tilespmem:$0x1C980] =	vst v63  }
.Ltmp3:
0x12c: {  	(pc) =	sbr.rel .LBB2_5-.Ltmp3, $4  }
0x12d: {  	_ =	swait.ge [sflag:s4], $0x8000  }
0x12e: {  	[sflag:s4] =	ssyncset.done $0x0  }
0x12f: {  	s6 =	rddreg [dreg:$0x5];
	[sflag:s4] =	ssyncadd.s32 $0xFFFF8000  }
0x130: {  	[hbm4b:s6+s2] =	stream.linear.scatter [tilespmem:s25], [sflag:$0x5], $0x8000, $0x38;
	[tilespmem:$0x1C980] =	vst v63  }
.LBB2_3:
0x131: {  	_ =	swait.ge [sflag:s8], $0x8000  }
0x132: {  	[sflag:s8] =	ssyncset.done $0x0  }
0x133: {  	[sflag:s8] =	ssyncadd.s32 $0xFFFF8000  }
0x134: {  	v3 =	vld [tilespmem:s12+$0xFFFFFE90];
	_ =	sdelay $0x4  }
0x135: {  	v4 =	vshll.u32 v3, $0x1  }
0x136: {  	v3 =	vand.u32 $0x7, v3;
	v4 =	vand.u32 $0xFFFFFFF0, v4  }
0x137: {  	v3 =	vor.u32 v3, v4  }
0x138: {  	v4 =	vperm.xlane v3, v0;
	_ =	sdelay $0x1  }
0x139: {  	v3 =	vperm.xlane v3, v2;
	v4 =	vadd.s32 v1, v4;
	_ =	sdelay $0x1  }
0x13a: {  	v3 =	vadd.s32 v1, v3;
	_ =	sdelay $0x2  }
0x13b: {  	[tilespmem:s9], [sflag:$0x1] =	stream.indirect_vreg.gather [hbm4b:s3+s2], $0x80, v4, vm0, $0xb8;
	[tilespmem:$0x1C980] =	vst v63  }
0x13c: {  	s6 =	simm.s32 $0x5180  }
0x13d: {  	[tilespmem:s6], [sflag:$0x1] =	stream.indirect_vreg.gather [hbm4b:s3+s2], $0x80, v3, vm0, $0xb8;
	[tilespmem:$0x1C980] =	vst v63  }
0x13e: {  	v3 =	vld [tilespmem:s12+$0xFFFFFEA0];
	_ =	sdelay $0x4  }
0x13f: {  	v49 =	vshll.u32 v3, $0x1  }
0x140: {  	v3 =	vand.u32 $0x7, v3;
	v4 =	vand.u32 $0xFFFFFFF0, v49  }
0x141: {  	v3 =	vor.u32 v3, v4  }
0x142: {  	v4 =	vperm.xlane v3, v0;
	_ =	sdelay $0x1  }
0x143: {  	v3 =	vperm.xlane v3, v2;
	v4 =	vadd.s32 v1, v4;
	_ =	sdelay $0x1  }
0x144: {  	v3 =	vadd.s32 v1, v3;
	_ =	sdelay $0x1  }
0x145: {  	s6 =	simm.s32 $0x5980  }
0x146: {  	[tilespmem:s6], [sflag:$0x1] =	stream.indirect_vreg.gather [hbm4b:s3+s2], $0x80, v4, vm0, $0xb8;
	[tilespmem:$0x1C980] =	vst v63  }
0x147: {  	s6 =	simm.s32 $0x6180  }
0x148: {  	[tilespmem:s6], [sflag:$0x1] =	stream.indirect_vreg.gather [hbm4b:s3+s2], $0x80, v3, vm0, $0xb8;
	[tilespmem:$0x1C980] =	vst v63  }
0x149: {  	v3 =	vld [tilespmem:s12+$0xFFFFFEB0];
	_ =	sdelay $0x4  }
0x14a: {  	v50 =	vshll.u32 v3, $0x1  }
0x14b: {  	v3 =	vand.u32 $0x7, v3;
	v4 =	vand.u32 $0xFFFFFFF0, v50  }
0x14c: {  	v3 =	vor.u32 v3, v4  }
0x14d: {  	v4 =	vperm.xlane v3, v0;
	_ =	sdelay $0x1  }
0x14e: {  	v3 =	vperm.xlane v3, v2;
	v4 =	vadd.s32 v1, v4;
	_ =	sdelay $0x1  }
0x14f: {  	v3 =	vadd.s32 v1, v3;
	_ =	sdelay $0x1  }
0x150: {  	s6 =	simm.s32 $0x6980  }
0x151: {  	[tilespmem:s6], [sflag:$0x1] =	stream.indirect_vreg.gather [hbm4b:s3+s2], $0x80, v4, vm0, $0xb8;
	[tilespmem:$0x1C980] =	vst v63  }
0x152: {  	s6 =	simm.s32 $0x7180  }
0x153: {  	[tilespmem:s6], [sflag:$0x1] =	stream.indirect_vreg.gather [hbm4b:s3+s2], $0x80, v3, vm0, $0xb8;
	[tilespmem:$0x1C980] =	vst v63  }
0x154: {  	v3 =	vld [tilespmem:s12+$0xFFFFFEC0];
	_ =	sdelay $0x4  }
0x155: {  	v51 =	vshll.u32 v3, $0x1  }
0x156: {  	v3 =	vand.u32 $0x7, v3;
	v4 =	vand.u32 $0xFFFFFFF0, v51  }
0x157: {  	v3 =	vor.u32 v3, v4  }
0x158: {  	v4 =	vperm.xlane v3, v0;
	_ =	sdelay $0x1  }
0x159: {  	v3 =	vperm.xlane v3, v2;
	v4 =	vadd.s32 v1, v4;
	_ =	sdelay $0x1  }
0x15a: {  	v3 =	vadd.s32 v1, v3;
	_ =	sdelay $0x1  }
0x15b: {  	s6 =	simm.s32 $0x7980  }
0x15c: {  	[tilespmem:s6], [sflag:$0x1] =	stream.indirect_vreg.gather [hbm4b:s3+s2], $0x80, v4, vm0, $0xb8;
	[tilespmem:$0x1C980] =	vst v63  }
0x15d: {  	s6 =	simm.s32 $0x8180  }
0x15e: {  	[tilespmem:s6], [sflag:$0x1] =	stream.indirect_vreg.gather [hbm4b:s3+s2], $0x80, v3, vm0, $0xb8;
	[tilespmem:$0x1C980] =	vst v63  }
0x15f: {  	v3 =	vld [tilespmem:s12+$0xFFFFFED0];
	_ =	sdelay $0x4  }
0x160: {  	v52 =	vshll.u32 v3, $0x1  }
0x161: {  	v3 =	vand.u32 $0x7, v3;
	v4 =	vand.u32 $0xFFFFFFF0, v52  }
0x162: {  	v3 =	vor.u32 v3, v4  }
0x163: {  	v4 =	vperm.xlane v3, v0;
	_ =	sdelay $0x1  }
0x164: {  	v3 =	vperm.xlane v3, v2;
	v4 =	vadd.s32 v1, v4;
	_ =	sdelay $0x1  }
0x165: {  	v3 =	vadd.s32 v1, v3;
	_ =	sdelay $0x1  }
0x166: {  	s6 =	simm.s32 $0x8980  }
0x167: {  	[tilespmem:s6], [sflag:$0x1] =	stream.indirect_vreg.gather [hbm4b:s3+s2], $0x80, v4, vm0, $0xb8;
	[tilespmem:$0x1C980] =	vst v63  }
0x168: {  	s6 =	simm.s32 $0x9180  }
0x169: {  	[tilespmem:s6], [sflag:$0x1] =	stream.indirect_vreg.gather [hbm4b:s3+s2], $0x80, v3, vm0, $0xb8;
	[tilespmem:$0x1C980] =	vst v63  }
0x16a: {  	v3 =	vld [tilespmem:s12+$0xFFFFFEE0];
	_ =	sdelay $0x4  }
0x16b: {  	v53 =	vshll.u32 v3, $0x1  }
0x16c: {  	v3 =	vand.u32 $0x7, v3;
	v4 =	vand.u32 $0xFFFFFFF0, v53  }
0x16d: {  	v3 =	vor.u32 v3, v4  }
0x16e: {  	v4 =	vperm.xlane v3, v0;
	_ =	sdelay $0x1  }
0x16f: {  	v3 =	vperm.xlane v3, v2;
	v4 =	vadd.s32 v1, v4;
	_ =	sdelay $0x1  }
0x170: {  	v3 =	vadd.s32 v1, v3;
	_ =	sdelay $0x1  }
0x171: {  	s6 =	simm.s32 $0x9980  }
0x172: {  	[tilespmem:s6], [sflag:$0x1] =	stream.indirect_vreg.gather [hbm4b:s3+s2], $0x80, v4, vm0, $0xb8;
	[tilespmem:$0x1C980] =	vst v63  }
0x173: {  	s6 =	simm.s32 $0xA180  }
0x174: {  	[tilespmem:s6], [sflag:$0x1] =	stream.indirect_vreg.gather [hbm4b:s3+s2], $0x80, v3, vm0, $0xb8;
	[tilespmem:$0x1C980] =	vst v63  }
0x175: {  	v3 =	vld [tilespmem:s12+$0xFFFFFEF0];
	_ =	sdelay $0x4  }
0x176: {  	v54 =	vshll.u32 v3, $0x1  }
0x177: {  	v3 =	vand.u32 $0x7, v3;
	v4 =	vand.u32 $0xFFFFFFF0, v54  }
0x178: {  	v3 =	vor.u32 v3, v4  }
0x179: {  	v4 =	vperm.xlane v3, v0;
	_ =	sdelay $0x1  }
0x17a: {  	v3 =	vperm.xlane v3, v2;
	v4 =	vadd.s32 v1, v4;
	_ =	sdelay $0x1  }
0x17b: {  	v3 =	vadd.s32 v1, v3;
	_ =	sdelay $0x1  }
0x17c: {  	s6 =	simm.s32 $0xA980  }
0x17d: {  	[tilespmem:s6], [sflag:$0x1] =	stream.indirect_vreg.gather [hbm4b:s3+s2], $0x80, v4, vm0, $0xb8;
	[tilespmem:$0x1C980] =	vst v63  }
0x17e: {  	s6 =	simm.s32 $0xB180  }
0x17f: {  	[tilespmem:s6], [sflag:$0x1] =	stream.indirect_vreg.gather [hbm4b:s3+s2], $0x80, v3, vm0, $0xb8;
	[tilespmem:$0x1C980] =	vst v63  }
0x180: {  	v3 =	vld [tilespmem:s12+$0xFFFFFF00];
	_ =	sdelay $0x4  }
0x181: {  	v55 =	vshll.u32 v3, $0x1  }
0x182: {  	v3 =	vand.u32 $0x7, v3;
	v4 =	vand.u32 $0xFFFFFFF0, v55  }
0x183: {  	v3 =	vor.u32 v3, v4  }
0x184: {  	v4 =	vperm.xlane v3, v0;
	_ =	sdelay $0x1  }
0x185: {  	v3 =	vperm.xlane v3, v2;
	v4 =	vadd.s32 v1, v4;
	_ =	sdelay $0x1  }
0x186: {  	v3 =	vadd.s32 v1, v3;
	_ =	sdelay $0x1  }
0x187: {  	s6 =	simm.s32 $0xB980  }
0x188: {  	[tilespmem:s6], [sflag:$0x1] =	stream.indirect_vreg.gather [hbm4b:s3+s2], $0x80, v4, vm0, $0xb8;
	[tilespmem:$0x1C980] =	vst v63  }
0x189: {  	s6 =	simm.s32 $0xC180  }
0x18a: {  	[tilespmem:s6], [sflag:$0x1] =	stream.indirect_vreg.gather [hbm4b:s3+s2], $0x80, v3, vm0, $0xb8;
	[tilespmem:$0x1C980] =	vst v63  }
0x18b: {  	_ =	swait.ge [sflag:s4], $0x8000  }
0x18c: {  	[sflag:s4] =	ssyncset.done $0x0  }
0x18d: {  	s6 =	sadd.s32 $0x1000, s14;
	[sflag:s4] =	ssyncadd.s32 $0xFFFF8000  }
0x18e: {  	[hbm4b:s6+s2] =	stream.linear.scatter [tilespmem:s25], [sflag:$0x5], $0x8000, $0x38;
	[tilespmem:$0x1C980] =	vst v63  }
0x18f: {  	_ =	swait.ge [sflag:s10], $0x8000  }
0x190: {  	[sflag:s10] =	ssyncset.done $0x0  }
0x191: {  	[sflag:s10] =	ssyncadd.s32 $0xFFFF8000  }
0x192: {  	v3 =	vld [tilespmem:s12+$0xFFFFFF10];
	_ =	sdelay $0x4  }
0x193: {  	v56 =	vshll.u32 v3, $0x1  }
0x194: {  	v3 =	vand.u32 $0x7, v3;
	v4 =	vand.u32 $0xFFFFFFF0, v56  }
0x195: {  	v3 =	vor.u32 v3, v4  }
0x196: {  	v4 =	vperm.xlane v3, v0;
	_ =	sdelay $0x1  }
0x197: {  	v3 =	vperm.xlane v3, v2;
	v4 =	vadd.s32 v1, v4;
	_ =	sdelay $0x1  }
0x198: {  	v3 =	vadd.s32 v1, v3;
	_ =	sdelay $0x2  }
0x199: {  	[tilespmem:s25], [sflag:$0x2] =	stream.indirect_vreg.gather [hbm4b:s3+s2], $0x80, v4, vm0, $0xb8;
	[tilespmem:$0x1C980] =	vst v63  }
0x19a: {  	s6 =	simm.s32 $0xD180  }
0x19b: {  	[tilespmem:s6], [sflag:$0x2] =	stream.indirect_vreg.gather [hbm4b:s3+s2], $0x80, v3, vm0, $0xb8;
	[tilespmem:$0x1C980] =	vst v63  }
0x19c: {  	v3 =	vld [tilespmem:s12+$0xFFFFFF20];
	_ =	sdelay $0x4  }
0x19d: {  	v57 =	vshll.u32 v3, $0x1  }
0x19e: {  	v3 =	vand.u32 $0x7, v3;
	v4 =	vand.u32 $0xFFFFFFF0, v57  }
0x19f: {  	v3 =	vor.u32 v3, v4  }
0x1a0: {  	v4 =	vperm.xlane v3, v0;
	_ =	sdelay $0x1  }
0x1a1: {  	v3 =	vperm.xlane v3, v2;
	v4 =	vadd.s32 v1, v4;
	_ =	sdelay $0x1  }
0x1a2: {  	v3 =	vadd.s32 v1, v3;
	_ =	sdelay $0x1  }
0x1a3: {  	s6 =	simm.s32 $0xD980  }
0x1a4: {  	[tilespmem:s6], [sflag:$0x2] =	stream.indirect_vreg.gather [hbm4b:s3+s2], $0x80, v4, vm0, $0xb8;
	[tilespmem:$0x1C980] =	vst v63  }
0x1a5: {  	s6 =	simm.s32 $0xE180  }
0x1a6: {  	[tilespmem:s6], [sflag:$0x2] =	stream.indirect_vreg.gather [hbm4b:s3+s2], $0x80, v3, vm0, $0xb8;
	[tilespmem:$0x1C980] =	vst v63  }
0x1a7: {  	v3 =	vld [tilespmem:s12+$0xFFFFFF30];
	_ =	sdelay $0x4  }
0x1a8: {  	v58 =	vshll.u32 v3, $0x1  }
0x1a9: {  	v3 =	vand.u32 $0x7, v3;
	v4 =	vand.u32 $0xFFFFFFF0, v58  }
0x1aa: {  	v3 =	vor.u32 v3, v4  }
0x1ab: {  	v4 =	vperm.xlane v3, v0;
	_ =	sdelay $0x1  }
0x1ac: {  	v3 =	vperm.xlane v3, v2;
	v4 =	vadd.s32 v1, v4;
	_ =	sdelay $0x1  }
0x1ad: {  	v3 =	vadd.s32 v1, v3;
	_ =	sdelay $0x1  }
0x1ae: {  	s6 =	simm.s32 $0xE980  }
0x1af: {  	[tilespmem:s6], [sflag:$0x2] =	stream.indirect_vreg.gather [hbm4b:s3+s2], $0x80, v4, vm0, $0xb8;
	[tilespmem:$0x1C980] =	vst v63  }
0x1b0: {  	s6 =	simm.s32 $0xF180  }
0x1b1: {  	[tilespmem:s6], [sflag:$0x2] =	stream.indirect_vreg.gather [hbm4b:s3+s2], $0x80, v3, vm0, $0xb8;
	[tilespmem:$0x1C980] =	vst v63  }
0x1b2: {  	v3 =	vld [tilespmem:s12+$0xFFFFFF40];
	_ =	sdelay $0x4  }
0x1b3: {  	v59 =	vshll.u32 v3, $0x1  }
0x1b4: {  	v3 =	vand.u32 $0x7, v3;
	v4 =	vand.u32 $0xFFFFFFF0, v59  }
0x1b5: {  	v3 =	vor.u32 v3, v4  }
0x1b6: {  	v4 =	vperm.xlane v3, v0;
	_ =	sdelay $0x1  }
0x1b7: {  	v3 =	vperm.xlane v3, v2;
	v4 =	vadd.s32 v1, v4;
	_ =	sdelay $0x1  }
0x1b8: {  	v3 =	vadd.s32 v1, v3;
	_ =	sdelay $0x1  }
0x1b9: {  	s6 =	simm.s32 $0xF980  }
0x1ba: {  	[tilespmem:s6], [sflag:$0x2] =	stream.indirect_vreg.gather [hbm4b:s3+s2], $0x80, v4, vm0, $0xb8;
	[tilespmem:$0x1C980] =	vst v63  }
0x1bb: {  	s6 =	simm.s32 $0x10180  }
0x1bc: {  	[tilespmem:s6], [sflag:$0x2] =	stream.indirect_vreg.gather [hbm4b:s3+s2], $0x80, v3, vm0, $0xb8;
	[tilespmem:$0x1C980] =	vst v63  }
0x1bd: {  	v3 =	vld [tilespmem:s12+$0xFFFFFF50];
	_ =	sdelay $0x4  }
0x1be: {  	v60 =	vshll.u32 v3, $0x1  }
0x1bf: {  	v3 =	vand.u32 $0x7, v3;
	v4 =	vand.u32 $0xFFFFFFF0, v60  }
0x1c0: {  	v3 =	vor.u32 v3, v4  }
0x1c1: {  	v4 =	vperm.xlane v3, v0;
	_ =	sdelay $0x1  }
0x1c2: {  	v3 =	vperm.xlane v3, v2;
	v4 =	vadd.s32 v1, v4;
	_ =	sdelay $0x1  }
0x1c3: {  	v3 =	vadd.s32 v1, v3;
	_ =	sdelay $0x1  }
0x1c4: {  	s6 =	simm.s32 $0x10980  }
0x1c5: {  	[tilespmem:s6], [sflag:$0x2] =	stream.indirect_vreg.gather [hbm4b:s3+s2], $0x80, v4, vm0, $0xb8;
	[tilespmem:$0x1C980] =	vst v63  }
0x1c6: {  	s6 =	simm.s32 $0x11180  }
0x1c7: {  	[tilespmem:s6], [sflag:$0x2] =	stream.indirect_vreg.gather [hbm4b:s3+s2], $0x80, v3, vm0, $0xb8;
	[tilespmem:$0x1C980] =	vst v63  }
0x1c8: {  	v3 =	vld [tilespmem:s12+$0xFFFFFF60];
	_ =	sdelay $0x4  }
0x1c9: {  	v61 =	vshll.u32 v3, $0x1  }
0x1ca: {  	v3 =	vand.u32 $0x7, v3;
	v4 =	vand.u32 $0xFFFFFFF0, v61  }
0x1cb: {  	v3 =	vor.u32 v3, v4  }
0x1cc: {  	v4 =	vperm.xlane v3, v0;
	_ =	sdelay $0x1  }
0x1cd: {  	v3 =	vperm.xlane v3, v2;
	v4 =	vadd.s32 v1, v4;
	_ =	sdelay $0x1  }
0x1ce: {  	v3 =	vadd.s32 v1, v3;
	_ =	sdelay $0x1  }
0x1cf: {  	s6 =	simm.s32 $0x11980  }
0x1d0: {  	[tilespmem:s6], [sflag:$0x2] =	stream.indirect_vreg.gather [hbm4b:s3+s2], $0x80, v4, vm0, $0xb8;
	[tilespmem:$0x1C980] =	vst v63  }
0x1d1: {  	s6 =	simm.s32 $0x12180  }
0x1d2: {  	[tilespmem:s6], [sflag:$0x2] =	stream.indirect_vreg.gather [hbm4b:s3+s2], $0x80, v3, vm0, $0xb8;
	[tilespmem:$0x1C980] =	vst v63  }
0x1d3: {  	v3 =	vld [tilespmem:s12+$0xFFFFFF70];
	_ =	sdelay $0x4  }
0x1d4: {  	v62 =	vshll.u32 v3, $0x1  }
0x1d5: {  	v3 =	vand.u32 $0x7, v3;
	v4 =	vand.u32 $0xFFFFFFF0, v62  }
0x1d6: {  	v3 =	vor.u32 v3, v4  }
0x1d7: {  	v4 =	vperm.xlane v3, v0;
	_ =	sdelay $0x1  }
0x1d8: {  	v3 =	vperm.xlane v3, v2;
	v4 =	vadd.s32 v1, v4;
	_ =	sdelay $0x1  }
0x1d9: {  	v3 =	vadd.s32 v1, v3;
	_ =	sdelay $0x1  }
0x1da: {  	s6 =	simm.s32 $0x12980  }
0x1db: {  	[tilespmem:s6], [sflag:$0x2] =	stream.indirect_vreg.gather [hbm4b:s3+s2], $0x80, v4, vm0, $0xb8;
	[tilespmem:$0x1C980] =	vst v63  }
0x1dc: {  	s6 =	simm.s32 $0x13180  }
0x1dd: {  	[tilespmem:s6], [sflag:$0x2] =	stream.indirect_vreg.gather [hbm4b:s3+s2], $0x80, v3, vm0, $0xb8;
	[tilespmem:$0x1C980] =	vst v63  }
0x1de: {  	v3 =	vld [tilespmem:s12+$0xFFFFFF80];
	_ =	sdelay $0x4  }
0x1df: {  	v63 =	vshll.u32 v3, $0x1  }
0x1e0: {  	v3 =	vand.u32 $0x7, v3;
	v4 =	vand.u32 $0xFFFFFFF0, v63  }
0x1e1: {  	v3 =	vor.u32 v3, v4  }
0x1e2: {  	v4 =	vperm.xlane v3, v0;
	_ =	sdelay $0x1  }
0x1e3: {  	v3 =	vperm.xlane v3, v2;
	v4 =	vadd.s32 v1, v4;
	_ =	sdelay $0x1  }
0x1e4: {  	v3 =	vadd.s32 v1, v3;
	_ =	sdelay $0x1  }
0x1e5: {  	s6 =	simm.s32 $0x13980  }
0x1e6: {  	[tilespmem:s6], [sflag:$0x2] =	stream.indirect_vreg.gather [hbm4b:s3+s2], $0x80, v4, vm0, $0xb8;
	[tilespmem:$0x1C980] =	vst v63  }
0x1e7: {  	s6 =	simm.s32 $0x14180  }
0x1e8: {  	[tilespmem:s6], [sflag:$0x2] =	stream.indirect_vreg.gather [hbm4b:s3+s2], $0x80, v3, vm0, $0xb8;
	[tilespmem:$0x1C980] =	vst v63  }
.LBB2_5:
.Ltmp4:
0x1e9: {  	(pc) =	sbr.rel @p0 .LBB2_7-.Ltmp4, $4  }
0x1ea: {  	_ =	swait.ge [sflag:s5], $0x8000  }
0x1eb: {  	[sflag:s5] =	ssyncset.done $0x0  }
0x1ec: {  	s6 =	sadd.s32 $0x2000, s14;
	[sflag:s5] =	ssyncadd.s32 $0xFFFF8000  }
0x1ed: {  	[hbm4b:s6+s2] =	stream.linear.scatter [tilespmem:s15], [sflag:$0x6], $0x8000, $0x38;
	[tilespmem:$0x1C980] =	vst v63  }
0x1ee: {  	_ =	swait.ge [sflag:s11], $0x8000  }
0x1ef: {  	[sflag:s11] =	ssyncset.done $0x0  }
0x1f0: {  	[sflag:s11] =	ssyncadd.s32 $0xFFFF8000  }
0x1f1: {  	v3 =	vld [tilespmem:s12+$0xFFFFFF90];
	_ =	sdelay $0x4  }
0x1f2: {  	v4 =	vshll.u32 v3, $0x1  }
0x1f3: {  	v3 =	vand.u32 $0x7, v3;
	v4 =	vand.u32 $0xFFFFFFF0, v4  }
0x1f4: {  	v3 =	vor.u32 v3, v4  }
0x1f5: {  	v4 =	vperm.xlane v3, v0;
	_ =	sdelay $0x1  }
0x1f6: {  	v3 =	vperm.xlane v3, v2;
	v4 =	vadd.s32 v1, v4;
	_ =	sdelay $0x1  }
0x1f7: {  	v3 =	vadd.s32 v1, v3;
	_ =	sdelay $0x2  }
0x1f8: {  	[tilespmem:s15], [sflag:$0x3] =	stream.indirect_vreg.gather [hbm4b:s3+s2], $0x80, v4, vm0, $0xb8;
	[tilespmem:$0x1C980] =	vst v63  }
0x1f9: {  	_ = 	snop  }
0x1fa: {  	[tilespmem:s16], [sflag:$0x3] =	stream.indirect_vreg.gather [hbm4b:s3+s2], $0x80, v3, vm0, $0xb8;
	[tilespmem:$0x1C980] =	vst v63  }
0x1fb: {  	v3 =	vld [tilespmem:s12+$0xFFFFFFA0];
	_ =	sdelay $0x4  }
0x1fc: {  	v57 =	vshll.u32 v3, $0x1  }
0x1fd: {  	v3 =	vand.u32 $0x7, v3;
	v4 =	vand.u32 $0xFFFFFFF0, v57  }
0x1fe: {  	v3 =	vor.u32 v3, v4  }
0x1ff: {  	v4 =	vperm.xlane v3, v0;
	_ =	sdelay $0x1  }
0x200: {  	v3 =	vperm.xlane v3, v2;
	v4 =	vadd.s32 v1, v4;
	_ =	sdelay $0x1  }
0x201: {  	v3 =	vadd.s32 v1, v3;
	_ =	sdelay $0x2  }
0x202: {  	[tilespmem:s17], [sflag:$0x3] =	stream.indirect_vreg.gather [hbm4b:s3+s2], $0x80, v4, vm0, $0xb8;
	[tilespmem:$0x1C980] =	vst v63  }
0x203: {  	_ = 	snop  }
0x204: {  	[tilespmem:s18], [sflag:$0x3] =	stream.indirect_vreg.gather [hbm4b:s3+s2], $0x80, v3, vm0, $0xb8;
	[tilespmem:$0x1C980] =	vst v63  }
0x205: {  	v3 =	vld [tilespmem:s12+$0xFFFFFFB0];
	_ =	sdelay $0x4  }
0x206: {  	v58 =	vshll.u32 v3, $0x1  }
0x207: {  	v3 =	vand.u32 $0x7, v3;
	v4 =	vand.u32 $0xFFFFFFF0, v58  }
0x208: {  	v3 =	vor.u32 v3, v4  }
0x209: {  	v4 =	vperm.xlane v3, v0;
	_ =	sdelay $0x1  }
0x20a: {  	v3 =	vperm.xlane v3, v2;
	v4 =	vadd.s32 v1, v4;
	_ =	sdelay $0x1  }
0x20b: {  	v3 =	vadd.s32 v1, v3;
	_ =	sdelay $0x2  }
0x20c: {  	[tilespmem:s19], [sflag:$0x3] =	stream.indirect_vreg.gather [hbm4b:s3+s2], $0x80, v4, vm0, $0xb8;
	[tilespmem:$0x1C980] =	vst v63  }
0x20d: {  	_ = 	snop  }
0x20e: {  	[tilespmem:s20], [sflag:$0x3] =	stream.indirect_vreg.gather [hbm4b:s3+s2], $0x80, v3, vm0, $0xb8;
	[tilespmem:$0x1C980] =	vst v63  }
0x20f: {  	v3 =	vld [tilespmem:s12+$0xFFFFFFC0];
	_ =	sdelay $0x4  }
0x210: {  	v59 =	vshll.u32 v3, $0x1  }
0x211: {  	v3 =	vand.u32 $0x7, v3;
	v4 =	vand.u32 $0xFFFFFFF0, v59  }
0x212: {  	v3 =	vor.u32 v3, v4  }
0x213: {  	v4 =	vperm.xlane v3, v0;
	_ =	sdelay $0x1  }
0x214: {  	v3 =	vperm.xlane v3, v2;
	v4 =	vadd.s32 v1, v4;
	_ =	sdelay $0x1  }
0x215: {  	v3 =	vadd.s32 v1, v3;
	_ =	sdelay $0x2  }
0x216: {  	[tilespmem:s21], [sflag:$0x3] =	stream.indirect_vreg.gather [hbm4b:s3+s2], $0x80, v4, vm0, $0xb8;
	[tilespmem:$0x1C980] =	vst v63  }
0x217: {  	_ = 	snop  }
0x218: {  	[tilespmem:s22], [sflag:$0x3] =	stream.indirect_vreg.gather [hbm4b:s3+s2], $0x80, v3, vm0, $0xb8;
	[tilespmem:$0x1C980] =	vst v63  }
0x219: {  	v3 =	vld [tilespmem:s12+$0xFFFFFFD0];
	_ =	sdelay $0x4  }
0x21a: {  	v60 =	vshll.u32 v3, $0x1  }
0x21b: {  	v3 =	vand.u32 $0x7, v3;
	v4 =	vand.u32 $0xFFFFFFF0, v60  }
0x21c: {  	v3 =	vor.u32 v3, v4  }
0x21d: {  	v4 =	vperm.xlane v3, v0;
	_ =	sdelay $0x1  }
0x21e: {  	v3 =	vperm.xlane v3, v2;
	v4 =	vadd.s32 v1, v4;
	_ =	sdelay $0x1  }
0x21f: {  	v3 =	vadd.s32 v1, v3;
	_ =	sdelay $0x2  }
0x220: {  	[tilespmem:s23], [sflag:$0x3] =	stream.indirect_vreg.gather [hbm4b:s3+s2], $0x80, v4, vm0, $0xb8;
	[tilespmem:$0x1C980] =	vst v63  }
0x221: {  	_ = 	snop  }
0x222: {  	[tilespmem:s24], [sflag:$0x3] =	stream.indirect_vreg.gather [hbm4b:s3+s2], $0x80, v3, vm0, $0xb8;
	[tilespmem:$0x1C980] =	vst v63  }
0x223: {  	v3 =	vld [tilespmem:s12+$0xFFFFFFE0];
	_ =	sdelay $0x4  }
0x224: {  	v61 =	vshll.u32 v3, $0x1  }
0x225: {  	v3 =	vand.u32 $0x7, v3;
	v4 =	vand.u32 $0xFFFFFFF0, v61  }
0x226: {  	v3 =	vor.u32 v3, v4  }
0x227: {  	v4 =	vperm.xlane v3, v0;
	_ =	sdelay $0x1  }
0x228: {  	v3 =	vperm.xlane v3, v2;
	v4 =	vadd.s32 v1, v4;
	_ =	sdelay $0x1  }
0x229: {  	v3 =	vadd.s32 v1, v3;
	_ =	sdelay $0x2  }
0x22a: {  	[tilespmem:s26], [sflag:$0x3] =	stream.indirect_vreg.gather [hbm4b:s3+s2], $0x80, v4, vm0, $0xb8;
	[tilespmem:$0x1C980] =	vst v63  }
0x22b: {  	_ = 	snop  }
0x22c: {  	[tilespmem:s28], [sflag:$0x3] =	stream.indirect_vreg.gather [hbm4b:s3+s2], $0x80, v3, vm0, $0xb8;
	[tilespmem:$0x1C980] =	vst v63  }
0x22d: {  	v3 =	vld [tilespmem:s12+$0xFFFFFFF0];
	_ =	sdelay $0x4  }
0x22e: {  	v62 =	vshll.u32 v3, $0x1  }
0x22f: {  	v3 =	vand.u32 $0x7, v3;
	v4 =	vand.u32 $0xFFFFFFF0, v62  }
0x230: {  	v3 =	vor.u32 v3, v4  }
0x231: {  	v4 =	vperm.xlane v3, v0;
	_ =	sdelay $0x1  }
0x232: {  	v3 =	vperm.xlane v3, v2;
	v4 =	vadd.s32 v1, v4;
	_ =	sdelay $0x1  }
0x233: {  	v3 =	vadd.s32 v1, v3;
	_ =	sdelay $0x2  }
0x234: {  	[tilespmem:s29], [sflag:$0x3] =	stream.indirect_vreg.gather [hbm4b:s3+s2], $0x80, v4, vm0, $0xb8;
	[tilespmem:$0x1C980] =	vst v63  }
0x235: {  	_ = 	snop  }
0x236: {  	[tilespmem:s30], [sflag:$0x3] =	stream.indirect_vreg.gather [hbm4b:s3+s2], $0x80, v3, vm0, $0xb8;
	[tilespmem:$0x1C980] =	vst v63  }
0x237: {  	v3 =	vld [tilespmem:s12+$0x0];
	_ =	sdelay $0x4  }
0x238: {  	v63 =	vshll.u32 v3, $0x1  }
0x239: {  	v3 =	vand.u32 $0x7, v3;
	v4 =	vand.u32 $0xFFFFFFF0, v63  }
0x23a: {  	v3 =	vor.u32 v3, v4  }
0x23b: {  	v4 =	vperm.xlane v3, v0;
	_ =	sdelay $0x1  }
0x23c: {  	v3 =	vperm.xlane v3, v2;
	v4 =	vadd.s32 v1, v4;
	_ =	sdelay $0x1  }
0x23d: {  	v3 =	vadd.s32 v1, v3  }
.Ltmp5:
0x23e: {  	_ = 	snop;
	(pc) =	sbr.rel .LBB2_2-.Ltmp5, $4  }
0x23f: {  	_ = 	snop  }
0x240: {  	[tilespmem:s31], [sflag:$0x3] =	stream.indirect_vreg.gather [hbm4b:s3+s2], $0x80, v4, vm0, $0xb8;
	[tilespmem:$0x1C980] =	vst v63  }
0x241: {  	s13 =	sadd.s32 $0x3000, s13;
	s12 =	sadd.s32 $0x180, s12  }
0x242: {  	[tilespmem:s0], [sflag:$0x3] =	stream.indirect_vreg.gather [hbm4b:s3+s2], $0x80, v3, vm0, $0xb8;
	[tilespmem:$0x1C980] =	vst v63  }
.LBB2_8:
0x243: {  	_ =	sfence.sel $0x180000  }
0x244: {  	[bflag:$0x0] =	sbarrier.arrive $0xFFFF  }
0x245: {  	_ =	strace $0x9000004A  }
0x246: {  	s0 =	stileid.u32;
	[bflag:$0x2] =	sbarrier.arrive $0xFFFF  }
0x247: {  	p0 =	sne.s32 s0, $0x0;
	s0 =	rddreg [dreg:$0x2]  }
0x248: {  	s0 =	sadd.s32 @!p0 $0x100000, s0  }
0x249: {  	[sflag:s0] =	ssyncadd.tile.s32 @!p0 $0x1;
	_ =	shalt  }
.Lfunc_end2:
_tile_overlayer_lowered:
.L_overlay_start_2:
0x24a: {  	(tag) =	ssettag $0x2  }
0x24b: {  	s0 =	rddreg [dreg:$0x0];
	s2 =	stileid.u32  }
0x24c: {  	s1 =	rddreg [dreg:$0x1];
	p0 =	sne.s32 s2, $0x0  }
0x24d: {  	s3 =	rddreg [dreg:$0x2];
	[bflag:$0x3] =	sbarrier.arrive $0xFFFF;
	s2 =	simm.s32 @!p0 $0x1C07  }
0x24e: {  	[timem:s3], [sflag:s2] =	dma.local @!p0 [hbm:s0], s1  }
0x24f: {  	s0 =	simm.s32 @!p0 $0x7  }
0x250: {  	_ =	swait.ge @!p0 [sflag:s0], s1  }
0x251: {  	s1 =	ssub.s32 @!p0 $0x0, s1;
	[sflag:s0] =	ssyncset.done @!p0 $0x0  }
0x252: {  	[sflag:s0] =	ssyncadd.s32 @!p0 s1  }
0x253: {  	[bflag:$0x3] =	sbarrier.arrive $0xFFFF  }
0x254: {  	_ =	shalt  }

// kernel: kernel.9.cloned.1.call-start
scs
__scs_entry_jumppad:
0x0: {  	(pc) =	sbr.rel $0x88, $3  }
0x1: {  	(tag) =	ssettag $0x0;
	lr =	simm.s32 $0x1  }
0x2: {  	[smem:$0x3F91] =	sst lr;
	_ =	strace $0xD0000000  }
0x3: {  	_ = 	snop  }
0x4: {  	_ = 	snop  }
0x5: {  	_ = 	snop  }
0x6: {  	_ = 	snop  }
0x7: {  	_ = 	snop  }
__scs_overlays_trampoline_lowered:
0x8: {  	[smem:$0x3FA0] =	sst s0  }
0x9: {  	[smem:$0x3FA1] =	sst s1  }
0xa: {  	[smem:$0x3FA2] =	sst s2  }
0xb: {  	[smem:$0x3FA3] =	sst s3  }
0xc: {  	[smem:$0x3FA4] =	sst s4  }
0xd: {  	[smem:$0x3FA5] =	sst s5  }
0xe: {  	[smem:$0x3FA6] =	sst s6  }
0xf: {  	[smem:$0x3FA7] =	sst s7  }
0x10: {  	[smem:$0x3FA8] =	sst s8  }
0x11: {  	[smem:$0x3FA9] =	sst s9;
	s0 =	simm.s32 @!p0 $0x0  }
0x12: {  	s1 =	sld [smem:$0x3F8F];
	s0 =	simm.s32 @p0 $0x1  }
0x13: {  	[smem:$0x3FAA] =	sst s0;
	s0 =	simm.s32 @!p1 $0x0  }
0x14: {  	s2 =	sld [smem:$0x3F8E];
	s0 =	simm.s32 @p1 $0x1  }
0x15: {  	[smem:$0x3FAB] =	sst s0;
	s0 =	simm.s32 @!p2 $0x0  }
0x16: {  	s3 =	sld [smem:$0x3FDB];
	s0 =	simm.s32 @p2 $0x1  }
0x17: {  	s4 =	simm.s32 $0x1BF5;
	[smem:$0x3FAD] =	sst s0  }
0x18: {  	s0 =	sld [smem:$0x3F90];
	_ =	swait.ge [sflag:s4], $0x0  }
0x19: {  	s7 =	sld [smem:$0x3F91]  }
0x1a: {  	s8 =	sadd.s32 $0xFFFFE003, lr  }
0x1b: {  	s9 =	sadd.s32 $0xFFFFFEF7, lr;
	s5 =	simm.s32 $0xFFFFFFFF;
	p2 =	slt.u32 s8, $0xFFFFF086  }
0x1c: {  	p1 =	slt.u32 s9, $0xF7A;
	s5 =	simm.s32 @!p2 $0x0  }
0x1d: {  	s5 =	simm.s32 @p1 $0x1;
	p0 =	seq.s32 s7, s2  }
0x1e: {  	s7 =	smul.u32 @!p0 $0xF7A, s2;
	p2 =	seq.s32 @!p0 s5, $0x0  }
0x1f: {  	s9 =	smul.u32 $0xF7A, s1;
	s8 =	simm.s32 @!p0 $0x1BF5;
	p2 =	por !p2, p0  }
0x20: {  	[sflag:s8] =	ssyncset.s32 @!p0 $0xFFFFF086;
	s6 =	sadd.s32 @!p0 s3, s7;
	s7 =	simm.s32 @!p0 $0x108  }
0x21: {  	s3 =	sadd.s32 s3, s9;
	s6 =	sadd.s32 @!p0 $0x88, s6;
	s7 =	simm.s32 @p2 $0x1082  }
0x22: {  	[simem:s7], [sflag:s8] =	dma.local @!p0 [hbm:s6], $0xF7A  }
0x23: {  	s9 =	sor.u32 $0xD0000000, s2;
	s6 =	simm.s32 $0x108;
	_ =	swait.ge @!p0 [sflag:s8], $0x0  }
0x24: {  	s3 =	sadd.s32 $0x88, s3;
	s6 =	simm.s32 @!p1 $0x1082;
	[sflag:s4] =	ssyncset.s32 $0xFFFFF086  }
0x25: {  	[simem:s6], [sflag:s4] =	dma.local [hbm:s3], $0xF7A  }
0x26: {  	[smem:$0x3F91] =	sst s1;
	(tag) =	ssettag s2;
	_ =	strace s9  }
0x27: {  	s1 =	sld [smem:$0x3FA1]  }
0x28: {  	s2 =	sld [smem:$0x3FA2]  }
0x29: {  	s4 =	sld [smem:$0x3FA4]  }
0x2a: {  	p0 =	seq.s32 s5, $0x0;
	s5 =	sld [smem:$0x3FA5]  }
0x2b: {  	s6 =	sld [smem:$0x3FA6]  }
0x2c: {  	s7 =	sld [smem:$0x3FA7]  }
0x2d: {  	s3 =	simm.s32 $0x108;
	s8 =	sld [smem:$0x3FA8]  }
0x2e: {  	s3 =	simm.s32 @!p0 $0x1082;
	s9 =	sld [smem:$0x3FA9]  }
0x2f: {  	lr =	sadd.s32 s0, s3;
	s0 =	sld [smem:$0x3FA0]  }
0x30: {  	s3 =	sld [smem:$0x3FA3]  }
0x31: {  	[smem:$0x3FAC] =	sst s10  }
0x32: {  	s10 =	sld [smem:$0x3FAA];
	_ =	sdelay $0x3  }
0x33: {  	p0 =	seq.s32 s10, $0x1;
	s10 =	sld [smem:$0x3FAC];
	_ =	sdelay $0x3  }
0x34: {  	[smem:$0x3FAC] =	sst s10  }
0x35: {  	s10 =	sld [smem:$0x3FAB];
	_ =	sdelay $0x3  }
0x36: {  	p1 =	seq.s32 s10, $0x1;
	s10 =	sld [smem:$0x3FAC];
	_ =	sdelay $0x3  }
0x37: {  	[smem:$0x3FAC] =	sst s10  }
0x38: {  	s10 =	sld [smem:$0x3FAD]  }
0x39: {  	_ = 	snop;
	(pc) =	sbr.ind lr, $3  }
0x3a: {  	_ = 	snop  }
0x3b: {  	_ = 	snop  }
0x3c: {  	p2 =	seq.s32 s10, $0x1;
	s10 =	sld [smem:$0x3FAC]  }
0x3d: {  	_ =	shalt  }
0x3e: {  	_ =	shalt  }
0x3f: {  	_ =	shalt  }
0x40: {  	_ =	shalt  }
0x41: {  	_ =	shalt  }
0x42: {  	_ =	shalt  }
0x43: {  	_ =	shalt  }
0x44: {  	_ =	shalt  }
0x45: {  	_ =	shalt  }
0x46: {  	_ =	shalt  }
0x47: {  	_ =	shalt  }
0x48: {  	_ =	shalt  }
0x49: {  	_ =	shalt  }
0x4a: {  	_ =	shalt  }
0x4b: {  	_ =	shalt  }
0x4c: {  	_ =	shalt  }
0x4d: {  	_ =	shalt  }
0x4e: {  	_ =	shalt  }
0x4f: {  	_ =	shalt  }
0x50: {  	_ =	shalt  }
0x51: {  	_ =	shalt  }
0x52: {  	_ =	shalt  }
0x53: {  	_ =	shalt  }
0x54: {  	_ =	shalt  }
0x55: {  	_ =	shalt  }
0x56: {  	_ =	shalt  }
0x57: {  	_ =	shalt  }
0x58: {  	_ =	shalt  }
0x59: {  	_ =	shalt  }
0x5a: {  	_ =	shalt  }
0x5b: {  	_ =	shalt  }
0x5c: {  	_ =	shalt  }
0x5d: {  	_ =	shalt  }
0x5e: {  	_ =	shalt  }
0x5f: {  	_ =	shalt  }
0x60: {  	_ =	shalt  }
0x61: {  	_ =	shalt  }
0x62: {  	_ =	shalt  }
0x63: {  	_ =	shalt  }
0x64: {  	_ =	shalt  }
0x65: {  	_ =	shalt  }
0x66: {  	_ =	shalt  }
0x67: {  	_ =	shalt  }
0x68: {  	_ =	shalt  }
0x69: {  	_ =	shalt  }
0x6a: {  	_ =	shalt  }
0x6b: {  	_ =	shalt  }
0x6c: {  	_ =	shalt  }
0x6d: {  	_ =	shalt  }
0x6e: {  	_ =	shalt  }
0x6f: {  	_ =	shalt  }
0x70: {  	_ =	shalt  }
0x71: {  	_ =	shalt  }
0x72: {  	_ =	shalt  }
0x73: {  	_ =	shalt  }
0x74: {  	_ =	shalt  }
0x75: {  	_ =	shalt  }
0x76: {  	_ =	shalt  }
0x77: {  	_ =	shalt  }
0x78: {  	_ =	shalt  }
0x79: {  	_ =	shalt  }
0x7a: {  	_ =	shalt  }
0x7b: {  	_ =	shalt  }
0x7c: {  	_ =	shalt  }
0x7d: {  	_ =	shalt  }
0x7e: {  	_ =	shalt  }
0x7f: {  	_ =	shalt  }
0x80: {  	_ =	shalt  }
0x81: {  	_ =	shalt  }
0x82: {  	_ =	shalt  }
0x83: {  	_ =	shalt  }
0x84: {  	_ =	shalt  }
0x85: {  	_ =	shalt  }
0x86: {  	_ =	shalt  }
0x87: {  	_ =	shalt  }
.Lfunc_end0:
.L_simem_size_0:
called_computation.1_lowered:
.L_overlay_start_0:
0x88: {  	s2 =	sld [smem:$0x3FD9]  }
0x89: {  	s3 =	sld [smem:$0x3FFE];
	_ =	sdelay $0x1  }
0x8a: {  	s1 =	srdreg.scid  }
0x8b: {  	s0 =	sand.u32 $0x1, s1  }
0x8c: {  	s16 =	sshll.u32 s0, $0xA;
	s2 =	sadd.s32 s3, s2  }
0x8d: {  	s2 =	sadd.s32 s2, s16  }
0x8e: {  	[smem:$0x3FB8] =	sst s2  }
0x8f: {  	_ = 	snop  }
0x90: {  	(tm) =	ssettm $0x1  }
0x91: {  	s17 =	sld [smem:$0x3FFB];
	_ =	sdelay $0x3  }
0x92: {  	_ =	strace s17  }
0x93: {  	s2 =	sld [smem:$0x3FFC];
	_ =	sdelay $0x3  }
0x94: {  	_ =	strace s2  }
0x95: {  	s2 =	sld [smem:$0x3FFD];
	_ =	sdelay $0x3  }
0x96: {  	_ =	strace s2  }
0x97: {  	_ =	strace $0x8FFFFFFF  }
0x98: {  	s18 =	sld [smem:$0x3FDB];
	_ =	sdelay $0x1  }
0x99: {  	s19 =	simm.s32 $_scs_section_size  }
0x9a: {  	s4 =	simm.s32 $_size__tile_overlayer_lowered;
	s5 =	simm.s32 $_tile_overlayer_lowered  }
0x9b: {  	s22 =	simm.s32 $0x1BFF;
	s21 =	sshll.u32 s5, $0x1;
	s2 =	sadd.s32 s19, s18  }
0x9c: {  	s6 =	simm.s32 $0x0;
	s20 =	sshll.u32 s4, $0x1;
	s4 =	sadd.s32 s21, s2  }
0x9d: {  	[timem:s6], [sflag:s22] =	dma.local [hbm:s4], s20  }
0x9e: {  	_ =	swait.ge [sflag:s22], s20  }
0x9f: {  	s3 =	ssub.s32 $0x0, s20;
	[sflag:s22] =	ssyncset.done $0x0  }
0xa0: {  	[sflag:s22] =	ssyncadd.s32 s3;
	_ =	sdelay $0x1  }
0xa1: {  	s23 =	simm.s32 $0x1B8B  }
0xa2: {  	_ =	swait.ge [sflag:s23], $0x1  }
0xa3: {  	[sflag:s23] =	ssyncset.done $0x0  }
0xa4: {  	s25 =	simm.s32 $0x1B8E;
	s24 =	sld [smem:$0x3FFE];
	[sflag:s23] =	ssyncadd.s32 $0xFFFFFFFF  }
0xa5: {  	s26 =	simm.s32 $execute0_lowered;
	[smem:$0x3FD2] =	sst s25  }
0xa6: {  	s4 =	sshll.u32 s26, $0x1;
	_ =	strace $0x80000046;
	[dreg:$0x1] =	wrdreg $0xFFFFFFFF  }
0xa7: {  	s28 =	simm.s32 $_size_execute0_lowered;
	s2 =	sadd.s32 s2, s4;
	[dreg:$0x0] =	wrdreg $0x0  }
0xa8: {  	s4 =	sshll.u32 s28, $0x1;
	[dreg:$0x2] =	wrdreg s2  }
0xa9: {  	[dreg:$0x3] =	wrdreg s4  }
0xaa: {  	[dreg:$0x4] =	wrdreg $0xC0  }
0xab: {  	_ =	task [dreg:s6], $0x5FFFF  }
0xac: {  	[dreg:$0x1] =	wrdreg $0xFFFFFFFF  }
0xad: {  	[dreg:$0x0] =	wrdreg $0x60  }
0xae: {  	[dreg:$0x2] =	wrdreg s24  }
0xaf: {  	[dreg:$0x3] =	wrdreg $0xA  }
0xb0: {  	_ =	task.clear_ibuf [dreg:s6], $0x4FFFF;
	_ =	strace $0x90000046  }
0xb1: {  	s29 =	simm.s32 $0xA;
	_ =	strace $0x80000048  }
0xb2: {  	_ =	swait.ge [sflag:s29], $0x1  }
0xb3: {  	[sflag:s29] =	ssyncadd.s32 $0xFFFFFFFF  }
0xb4: {  	_ =	strace $0x90000048  }
0xb5: {  	_ =	sfence  }
0xb6: {  	s30 =	sld [smem:$0x0];
	_ =	sdelay $0x2  }
0xb7: {  	s31 =	sshll.u32 s1, $0xD;
	s1 =	sshrl.u32 s1, $0x2  }
0xb8: {  	s3 =	sand.u32 $0x4000, s31;
	s1 =	sadd.s32 s1, s30  }
0xb9: {  	s0 =	sor.u32 s3, s0;
	s1 =	sshll.u32 s1, $0x11  }
0xba: {  	s0 =	sor.u32 s1, s0  }
0xbb: {  	s0 =	sadd.s32 $0x8F2B, s0  }
0xbc: {  	[sflag:s0] =	ssyncadd.remote.s32 $0x1  }
0xbd: {  	_ =	sfence.sel $0xFFFF  }
0xbe: {  	[dreg:$0x0] =	wrdreg $0xFFFFFFFF;
	(pc) =	sbr.abs _section_cstart, $3  }
0xbf: {  	[dreg:$0x1] =	wrdreg $0xFFFFFFFF  }
0xc0: {  	_ =	task.clear_ibuf [dreg:s6], $0x2FFFF;
	_ =	strace $0x9FFFFFFF  }
0xc1: {  	(tm) =	ssettm $0x7FFFFFFF  }
tec
execute0_lowered:
.L_overlay_start_1:
0x0: {  	(tag) =	ssettag $0x1  }
0x1: {  	s1 =	srdreg.scid;
	s0 =	stileid.u32  }
0x2: {  	s4 =	rddreg [dreg:$0x0];
	s2 =	simm.s32 $0x0;
	s13 =	simm.s32 $0x4D80  }
0x3: {  	s14 =	simm.s32 $0x100;
	s15 =	simm.s32 $0x5180;
	s16 =	simm.s32 $0x1  }
0x4: {  	s17 =	simm.s32 $0x4;
	s18 =	simm.s32 $0x2;
	s19 =	simm.s32 $0x5  }
0x5: {  	s20 =	simm.s32 $0x3;
	s21 =	simm.s32 $0x6;
	s22 =	simm.s32 $0x0  }
0x6: {  	s6 =	sand.u32 $0x1, s1;
	s30 =	sshll.u32 s0, $0x1;
	s11 =	smul.u32 $0x9300, s0  }
0x7: {  	[smem:$0x7FF] =	sst s2;
	s1 =	sor.u32 s6, s30;
	s12 =	smul.u32 $0x4980, s6  }
0x8: {  	s9 =	sadd.s32 $0x15C00, s4;
	s8 =	ssub.s32 $0x2, s6;
	s5 =	smul.u32 $0x4980, s1  }
0x9: {  	s1 =	rddreg [dreg:$0x1];
	_ =	strace $0x80000047;
	s31 =	sshrl.u32 s8, $0x1  }
0xa: {  	s8 =	ssub.s32 s8, s31;
	s3 =	sshrl.u32 s5, $0x3;
	s10 =	sadd.s32 s9, s5  }
0xb: {  	s6 =	smax.u32 s8, $0x1;
	s9 =	sadd.s32 s11, s9;
	s11 =	simm.s32 $0x80  }
0xc: {  	s7 =	sadd.s32 s3, s4;
	s3 =	sadd.s32 $0x15000, s4;
	s5 =	sadd.s32 $0x4880, s10  }
0xd: {  	s8 =	sadd.s32 $0x4900, s10;
	s9 =	sadd.s32 s12, s9;
	s12 =	simm.s32 $0x4980  }
0xe: {  	s4 =	sadd.s32 $0x2A00, s7;
	s7 =	sadd.s32 $0x4800, s10;
	s10 =	simm.s32 $0x7  }
.LBB2_1:
0xf: {  	[tilespmem:s2], [sflag:$0x7] =	stream.linear.gather [hbm4b:s4+s2], $0x4980, $0x38;
	[tilespmem:$0x5580] =	vst v63  }
0x10: {  	_ =	swait.ge [sflag:s10], $0x4980  }
0x11: {  	[sflag:s10] =	ssyncset.done $0x0  }
0x12: {  	[sflag:s10] =	ssyncadd.s32 $0xFFFFB680  }
0x13: {  	[tilespmem:s12], [sflag:$0x1] =	stream.indirect.gather [hbm4b:s3+s11], $0x8, s2, s11, $0xb8;
	[tilespmem:$0x5580] =	vst v63  }
0x14: {  	_ = 	snop  }
0x15: {  	[tilespmem:s13], [sflag:$0x2] =	stream.indirect.gather [hbm4b:s3+s11], $0x8, s11, s11, $0xb8;
	[tilespmem:$0x5580] =	vst v63  }
0x16: {  	_ = 	snop  }
0x17: {  	[tilespmem:s15], [sflag:$0x3] =	stream.indirect.gather [hbm4b:s3+s11], $0x8, s14, s11, $0xb8;
	[tilespmem:$0x5580] =	vst v63  }
0x18: {  	_ =	swait.ge [sflag:s16], $0x400  }
0x19: {  	[sflag:s16] =	ssyncset.done $0x0  }
0x1a: {  	s23 =	sadd.s32 $0x0, s9;
	[sflag:s16] =	ssyncadd.s32 $0xFFFFFC00  }
0x1b: {  	[hbm4b:s23+s2] =	stream.linear.scatter [tilespmem:s12], [sflag:$0x4], $0x400, $0x38;
	[tilespmem:$0x5580] =	vst v63  }
0x1c: {  	_ =	swait.ge [sflag:s17], $0x400  }
0x1d: {  	[sflag:s17] =	ssyncset.done $0x0  }
0x1e: {  	s24 =	simm.s32 $0x180;
	[sflag:s17] =	ssyncadd.s32 $0xFFFFFC00  }
0x1f: {  	[tilespmem:s12], [sflag:$0x1] =	stream.indirect.gather [hbm4b:s3+s11], $0x8, s24, s11, $0xb8;
	[tilespmem:$0x5580] =	vst v63  }
0x20: {  	_ =	swait.ge [sflag:s18], $0x400  }
0x21: {  	[sflag:s18] =	ssyncset.done $0x0  }
0x22: {  	s30 =	sadd.s32 $0x80, s23;
	[sflag:s18] =	ssyncadd.s32 $0xFFFFFC00  }
0x23: {  	[hbm4b:s30+s2] =	stream.linear.scatter [tilespmem:s13], [sflag:$0x5], $0x400, $0x38;
	[tilespmem:$0x5580] =	vst v63  }
0x24: {  	_ =	swait.ge [sflag:s19], $0x400  }
0x25: {  	[sflag:s19] =	ssyncset.done $0x0  }
0x26: {  	s31 =	simm.s32 $0x200;
	[sflag:s19] =	ssyncadd.s32 $0xFFFFFC00  }
0x27: {  	[tilespmem:s13], [sflag:$0x2] =	stream.indirect.gather [hbm4b:s3+s11], $0x8, s31, s11, $0xb8;
	[tilespmem:$0x5580] =	vst v63  }
0x28: {  	_ =	swait.ge [sflag:s20], $0x400  }
0x29: {  	[sflag:s20] =	ssyncset.done $0x0  }
0x2a: {  	s23 =	sadd.s32 $0x100, s23;
	[sflag:s20] =	ssyncadd.s32 $0xFFFFFC00  }
0x2b: {  	[hbm4b:s23+s2] =	stream.linear.scatter [tilespmem:s15], [sflag:$0x6], $0x400, $0x38;
	[tilespmem:$0x5580] =	vst v63  }
0x2c: {  	_ =	swait.ge [sflag:s21], $0x400  }
0x2d: {  	s25 =	simm.s32 $0x400;
	[sflag:s21] =	ssyncset.done $0x0  }
0x2e: {  	s24 =	simm.s32 $0x180;
	s23 =	simm.s32 $0x280;
	[sflag:s21] =	ssyncadd.s32 $0xFFFFFC00  }
.LBB2_2:
0x2f: {  	[tilespmem:s15], [sflag:$0x3] =	stream.indirect.gather [hbm4b:s3+s11], $0x8, s23, s11, $0xb8;
	[tilespmem:$0x5580] =	vst v63  }
0x30: {  	s26 =	smov.u32 s24;
	s23 =	smov.u32 s25  }
0x31: {  	p0 =	sne.s32 s24, $0x4680;
	s24 =	sadd.s32 $0x180, s24;
	_ =	swait.ge [sflag:s16], $0x400  }
0x32: {  	[sflag:s16] =	ssyncset.done $0x0  }
0x33: {  	s26 =	sadd.s32 s26, s9;
	[sflag:s16] =	ssyncadd.s32 $0xFFFFFC00  }
0x34: {  	[hbm4b:s26+s2] =	stream.linear.scatter [tilespmem:s12], [sflag:$0x4], $0x400, $0x38;
	[tilespmem:$0x5580] =	vst v63  }
0x35: {  	_ =	swait.ge [sflag:s17], $0x400  }
0x36: {  	[sflag:s17] =	ssyncset.done $0x0  }
0x37: {  	s28 =	sadd.s32 $0xFFFFFF00, s25;
	[sflag:s17] =	ssyncadd.s32 $0xFFFFFC00  }
0x38: {  	[tilespmem:s12], [sflag:$0x1] =	stream.indirect.gather [hbm4b:s3+s11], $0x8, s28, s11, $0xb8;
	[tilespmem:$0x5580] =	vst v63  }
0x39: {  	_ =	swait.ge [sflag:s18], $0x400  }
0x3a: {  	[sflag:s18] =	ssyncset.done $0x0  }
0x3b: {  	s28 =	sadd.s32 $0x80, s26;
	[sflag:s18] =	ssyncadd.s32 $0xFFFFFC00  }
0x3c: {  	[hbm4b:s28+s2] =	stream.linear.scatter [tilespmem:s13], [sflag:$0x5], $0x400, $0x38;
	[tilespmem:$0x5580] =	vst v63  }
0x3d: {  	_ =	swait.ge [sflag:s19], $0x400  }
0x3e: {  	[sflag:s19] =	ssyncset.done $0x0  }
0x3f: {  	s28 =	sadd.s32 $0xFFFFFF80, s25;
	[sflag:s19] =	ssyncadd.s32 $0xFFFFFC00  }
0x40: {  	[tilespmem:s13], [sflag:$0x2] =	stream.indirect.gather [hbm4b:s3+s11], $0x8, s28, s11, $0xb8;
	[tilespmem:$0x5580] =	vst v63  }
0x41: {  	_ =	swait.ge [sflag:s20], $0x400  }
0x42: {  	[sflag:s20] =	ssyncset.done $0x0  }
.Ltmp0:
0x43: {  	s26 =	sadd.s32 $0x100, s26;
	[sflag:s20] =	ssyncadd.s32 $0xFFFFFC00;
	(pc) =	sbr.rel @p0 .LBB2_2-.Ltmp0, $4  }
0x44: {  	[hbm4b:s26+s2] =	stream.linear.scatter [tilespmem:s15], [sflag:$0x6], $0x400, $0x38;
	[tilespmem:$0x5580] =	vst v63  }
0x45: {  	_ =	swait.ge [sflag:s21], $0x400  }
0x46: {  	[sflag:s21] =	ssyncset.done $0x0  }
0x47: {  	s25 =	sadd.s32 $0x180, s25;
	[sflag:s21] =	ssyncadd.s32 $0xFFFFFC00  }
0x48: {  	[tilespmem:s15], [sflag:$0x3] =	stream.indirect.gather [hbm4b:s3+s11], $0x8, s23, s11, $0xb8;
	[tilespmem:$0x5580] =	vst v63  }
0x49: {  	_ =	swait.ge [sflag:s16], $0x400  }
0x4a: {  	[sflag:s16] =	ssyncset.done $0x0  }
0x4b: {  	[sflag:s16] =	ssyncadd.s32 $0xFFFFFC00  }
0x4c: {  	[hbm4b:s7+s2] =	stream.linear.scatter [tilespmem:s12], [sflag:$0x4], $0x400, $0x38;
	[tilespmem:$0x5580] =	vst v63  }
0x4d: {  	_ =	swait.ge [sflag:s18], $0x400  }
0x4e: {  	[sflag:s18] =	ssyncset.done $0x0  }
0x4f: {  	[sflag:s18] =	ssyncadd.s32 $0xFFFFFC00  }
0x50: {  	[hbm4b:s5+s2] =	stream.linear.scatter [tilespmem:s13], [sflag:$0x5], $0x400, $0x38;
	[tilespmem:$0x5580] =	vst v63  }
0x51: {  	_ =	swait.ge [sflag:s20], $0x400  }
0x52: {  	[sflag:s20] =	ssyncset.done $0x0  }
0x53: {  	[sflag:s20] =	ssyncadd.s32 $0xFFFFFC00  }
0x54: {  	[hbm4b:s8+s2] =	stream.linear.scatter [tilespmem:s15], [sflag:$0x6], $0x400, $0x38;
	[tilespmem:$0x5580] =	vst v63  }
0x55: {  	_ =	swait.ge [sflag:s17], $0x400  }
0x56: {  	[sflag:s17] =	ssyncset.done $0x0  }
0x57: {  	s22 =	sadd.s32 $0x1, s22;
	[sflag:s17] =	ssyncadd.s32 $0xFFFFFC00  }
0x58: {  	p0 =	sne.s32 s22, s6;
	_ =	swait.ge [sflag:s19], $0x400  }
.Ltmp1:
0x59: {  	[sflag:s19] =	ssyncset.done $0x0;
	(pc) =	sbr.rel @p0 .LBB2_1-.Ltmp1, $4  }
0x5a: {  	[sflag:s19] =	ssyncadd.s32 $0xFFFFFC00  }
0x5b: {  	_ =	swait.ge [sflag:s21], $0x400  }
0x5c: {  	[sflag:s21] =	ssyncset.done $0x0  }
0x5d: {  	[sflag:s21] =	ssyncadd.s32 $0xFFFFFC00  }
0x5e: {  	_ =	sfence.sel $0x180000  }
0x5f: {  	[bflag:$0x0] =	sbarrier.arrive $0xFFFF  }
0x60: {  	p0 =	sne.s32 s0, $0x0;
	_ =	strace $0x90000047  }
0x61: {  	s0 =	sadd.s32 @!p0 $0x100000, s1;
	[bflag:$0x2] =	sbarrier.arrive $0xFFFF  }
0x62: {  	[sflag:s0] =	ssyncadd.tile.s32 @!p0 $0x1;
	_ =	shalt  }
.Lfunc_end2:
_tile_overlayer_lowered:
.L_overlay_start_2:
0x63: {  	(tag) =	ssettag $0x2  }
0x64: {  	s0 =	rddreg [dreg:$0x0];
	s2 =	stileid.u32  }
0x65: {  	s1 =	rddreg [dreg:$0x1];
	p0 =	sne.s32 s2, $0x0  }
0x66: {  	s3 =	rddreg [dreg:$0x2];
	[bflag:$0x3] =	sbarrier.arrive $0xFFFF;
	s2 =	simm.s32 @!p0 $0x1C07  }
0x67: {  	[timem:s3], [sflag:s2] =	dma.local @!p0 [hbm:s0], s1  }
0x68: {  	s0 =	simm.s32 @!p0 $0x7  }
0x69: {  	_ =	swait.ge @!p0 [sflag:s0], s1  }
0x6a: {  	s1 =	ssub.s32 @!p0 $0x0, s1;
	[sflag:s0] =	ssyncset.done @!p0 $0x0  }
0x6b: {  	[sflag:s0] =	ssyncadd.s32 @!p0 s1  }
0x6c: {  	[bflag:$0x3] =	sbarrier.arrive $0xFFFF  }
0x6d: {  	_ =	shalt  }

</sc_bundles>
